<compile_context>
chip_gen: v7x
topology: tpu7x:2x2x1
jax: 0.10.2.dev20260603
libtpu: 0.0.44.dev20260713+nightly
codegen_flags: <defaults>
</compile_context>

<pallas_src>
import functools

import jax
import jax.numpy as jnp
from jax import lax
from jax.experimental import pallas as pl
from jax.experimental.pallas import tpu as pltpu
from jax.experimental.pallas import tpu_sc as plsc

N = 10000
E = 320000
NPAD = 10240
NW = 32
CH = 128
NCH = 80
EPAD = NW * NCH * CH
RPT = NPAD // 16


def _worker_id():
    cid = lax.axis_index("c")
    sid = lax.axis_index("s")
    return cid, sid, sid * 2 + cid


def _zero_acc(zeros_hbm, acc, sid):
    for k in range(RPT // CH):
        pltpu.sync_copy(zeros_hbm, acc.at[pl.ds(sid * RPT + k * CH, CH)])


def _make_deg_kernel():
    mesh = plsc.VectorSubcoreMesh(core_axis_name="c", subcore_axis_name="s")

    @functools.partial(
        pl.kernel,
        out_type=jax.ShapeDtypeStruct((2, NPAD, 16), jnp.float32),
        mesh=mesh,
        compiler_params=pltpu.CompilerParams(use_tc_tiling_on_sc=False),
        scratch_types=[
            pltpu.VMEM((CH,), jnp.int32),
            pltpu.VMEM((CH, 16), jnp.float32),
            pltpu.VMEM_SHARED((NPAD, 16), jnp.float32),
        ],
    )
    def k(dst_hbm, ones_hbm, zeros_hbm, out_hbm, didx, ones_v, acc):
        cid, sid, wid = _worker_id()
        pltpu.sync_copy(ones_hbm, ones_v)
        _zero_acc(zeros_hbm, acc, sid)
        plsc.subcore_barrier()

        base = wid * NCH * CH

        def body(j, carry):
            pltpu.sync_copy(dst_hbm.at[pl.ds(base + j * CH, CH)], didx)
            pltpu.sync_copy(ones_v, acc.at[didx], add=True)
            return carry

        lax.fori_loop(0, NCH, body, 0)

        plsc.subcore_barrier()
        pltpu.sync_copy(acc.at[pl.ds(sid * RPT, RPT)],
                        out_hbm.at[cid, pl.ds(sid * RPT, RPT)])

    return k


def _make_agg_kernel(width, pipelined=True):
    mesh = plsc.VectorSubcoreMesh(core_axis_name="c", subcore_axis_name="s")

    @functools.partial(
        pl.kernel,
        out_type=jax.ShapeDtypeStruct((2, NPAD, width), jnp.float32),
        mesh=mesh,
        compiler_params=pltpu.CompilerParams(
            use_tc_tiling_on_sc=(width % 128 == 0)),
        scratch_types=[
            pltpu.VMEM((2, CH), jnp.int32),
            pltpu.VMEM((2, CH), jnp.int32),
            pltpu.VMEM((CH, width), jnp.float32),
            pltpu.VMEM((CH, width), jnp.float32),
            pltpu.VMEM_SHARED((NPAD, width), jnp.float32),
            pltpu.SemaphoreType.DMA,
            pltpu.SemaphoreType.DMA,
            pltpu.SemaphoreType.DMA,
            pltpu.SemaphoreType.DMA,
            pltpu.SemaphoreType.DMA,
            pltpu.SemaphoreType.DMA,
        ],
    )
    def k(table_hbm, src_hbm, dst_hbm, zeros_hbm, out_hbm,
          sidx, didx, rows0, rows1, acc,
          isem0, isem1, dsem0, dsem1, gsem0, gsem1):
        cid, sid, wid = _worker_id()
        isem = (isem0, isem1)
        dsem = (dsem0, dsem1)
        gsem = (gsem0, gsem1)
        rows = (rows0, rows1)
        _zero_acc(zeros_hbm, acc, sid)
        plsc.subcore_barrier()

        base = wid * NCH * CH

        def sis(j, b):
            pltpu.async_copy(src_hbm.at[pl.ds(base + j * CH, CH)],
                             sidx.at[b], isem[b])

        def wis(j, b):
            pltpu.make_async_copy(src_hbm.at[pl.ds(base + j * CH, CH)],
                                  sidx.at[b], isem[b]).wait()

        def did(j, b):
            pltpu.async_copy(dst_hbm.at[pl.ds(base + j * CH, CH)],
                             didx.at[b], dsem[b])

        def wid_(j, b):
            pltpu.make_async_copy(dst_hbm.at[pl.ds(base + j * CH, CH)],
                                  didx.at[b], dsem[b]).wait()

        def g(b):
            pltpu.async_copy(table_hbm.at[sidx.at[b]], rows[b], gsem[b])

        def wg(b):
            pltpu.make_async_copy(table_hbm.at[sidx.at[b]], rows[b],
                                  gsem[b]).wait()

        def sc(b):
            pltpu.sync_copy(rows[b], acc.at[didx.at[b]], add=True)

        def body(t, carry):
            j0 = 2 * t
            wis(j0 + 1, 1)
            g(1)
            wg(0)
            sis(j0 + 2, 0)
            wid_(j0, 0)
            sc(0)
            did(j0 + 2, 0)
            wis(j0 + 2, 0)
            g(0)
            wg(1)
            sis(j0 + 3, 1)
            wid_(j0 + 1, 1)
            sc(1)
            did(j0 + 3, 1)
            return carry

        def body_sync(j, carry):
            off = base + j * CH
            pltpu.sync_copy(src_hbm.at[pl.ds(off, CH)], sidx.at[0])
            pltpu.sync_copy(dst_hbm.at[pl.ds(off, CH)], didx.at[0])
            pltpu.async_copy(table_hbm.at[sidx.at[0]], rows0, gsem0).wait()
            pltpu.sync_copy(rows0, acc.at[didx.at[0]], add=True)
            return carry

        if pipelined:
            sis(0, 0)
            did(0, 0)
            wis(0, 0)
            g(0)
            sis(1, 1)
            did(1, 1)
            lax.fori_loop(0, NCH // 2 - 1, body, 0)
            wis(NCH - 1, 1)
            g(1)
            wg(0)
            wid_(NCH - 2, 0)
            sc(0)
            wg(1)
            wid_(NCH - 1, 1)
            sc(1)
        else:
            lax.fori_loop(0, NCH, body_sync, 0)

        plsc.subcore_barrier()
        pltpu.sync_copy(acc.at[pl.ds(sid * RPT, RPT)],
                        out_hbm.at[cid, pl.ds(sid * RPT, RPT)])

    return k


def _tc_scale(degp_ref, x_ref, xp_ref, disv_ref):
    dval = degp_ref[0, :N, 0:1] + degp_ref[1, :N, 0:1] + 1.0
    dis = lax.rsqrt(dval)
    xp_ref[...] = x_ref[...] * dis
    disv_ref[...] = jnp.broadcast_to(dis, (N, 16))


def _tc_mid(agg1_ref, xp_ref, disv_ref, w1_ref, b1_ref, w2p_ref, p_ref):
    a = agg1_ref[0, :N, :] + agg1_ref[1, :N, :] + xp_ref[...]
    dis = disv_ref[:, 0:1]
    z = jnp.dot(a, w1_ref[...], preferred_element_type=jnp.float32) * dis + b1_ref[...]
    h = jnp.where(z >= 0.0, z, 0.2 * z)
    p_ref[...] = jnp.dot(h * dis, w2p_ref[...], preferred_element_type=jnp.float32)


def _tc_final(agg2_ref, p_ref, disv_ref, b2p_ref, out_ref):
    s = agg2_ref[0, :N, :] + agg2_ref[1, :N, :] + p_ref[...]
    z = s * disv_ref[:, 0:1] + b2p_ref[...]
    z = z - jnp.max(z, axis=1, keepdims=True)
    out_ref[...] = z - jnp.log(jnp.sum(jnp.exp(z), axis=1, keepdims=True))


def kernel(x, edge_index, W1, b1, W2, b2):
    src = edge_index[0].astype(jnp.int32)
    dst = edge_index[1].astype(jnp.int32)
    ppw = NCH * CH - E // NW
    srcp = jnp.concatenate(
        [src.reshape(NW, E // NW),
         jnp.zeros((NW, ppw), jnp.int32)], axis=1).reshape(-1)
    dstp = jnp.concatenate(
        [dst.reshape(NW, E // NW),
         jnp.broadcast_to(N + jnp.arange(ppw, dtype=jnp.int32),
                          (NW, ppw))], axis=1).reshape(-1)

    w2p = jnp.pad(W2, ((0, 0), (0, 16 - W2.shape[1])))
    b2p = jnp.concatenate([b2, jnp.full((16 - b2.shape[0],), -1e30, b2.dtype)])

    ones16 = jnp.ones((CH, 16), jnp.float32)
    zeros16 = jnp.zeros((CH, 16), jnp.float32)
    zeros128 = jnp.zeros((CH, 128), jnp.float32)
    degp = _make_deg_kernel()(dstp, ones16, zeros16)
    xp, disv = pl.pallas_call(
        _tc_scale,
        out_shape=[jax.ShapeDtypeStruct((N, 128), jnp.float32),
                   jax.ShapeDtypeStruct((N, 16), jnp.float32)],
    )(degp, x)
    agg1 = _make_agg_kernel(128, pipelined=True)(xp, srcp, dstp, zeros128)
    p = pl.pallas_call(
        _tc_mid,
        out_shape=jax.ShapeDtypeStruct((N, 16), jnp.float32),
    )(agg1, xp, disv, W1, b1, w2p)
    agg2 = _make_agg_kernel(16)(p, srcp, dstp, zeros16)
    out16 = pl.pallas_call(
        _tc_final,
        out_shape=jax.ShapeDtypeStruct((N, 16), jnp.float32),
    )(agg2, p, disv, b2p)
    return out16[:, :10]

# --- scband reference (transcript-rebuilt; emitter-appended) ---
"""Pipeline reference for scband-classification-gnn-72378788872351 (READ-ONLY COPY).

The authoritative reference and input builder live on the scoring server;
editing this copy changes nothing except your own understanding.
"""

import jax, jax.numpy as jnp
import numpy as np

N_NODES = 10000
N_EDGES = 320000
D_IN = 128
D_HID = 128
N_CLS = 10


def setup_inputs(seed: int = 0) -> dict:
    key = jax.random.key(seed)
    k1, k2, k3, k4, k5, k6 = jax.random.split(key, 6)
    x = jax.random.normal(k1, (N_NODES, D_IN), dtype=jnp.float32)
    edge_index = jax.random.randint(k2, (2, N_EDGES), 0, N_NODES, dtype=jnp.int64)
    # GCN layer 1 params (glorot-like init)
    W1 = jax.random.normal(k3, (D_IN, D_HID), dtype=jnp.float32) * (1.0 / np.sqrt(D_IN))
    b1 = jnp.zeros((D_HID,), dtype=jnp.float32)
    # GCN layer 2 params
    W2 = jax.random.normal(k4, (D_HID, N_CLS), dtype=jnp.float32) * (1.0 / np.sqrt(D_HID))
    b2 = jnp.zeros((N_CLS,), dtype=jnp.float32)
    return {"x": x, "edge_index": edge_index, "W1": W1, "b1": b1, "W2": W2, "b2": b2}


def _gcn_conv(x, src, dst, W, b, num_nodes):
    # PyG GCNConv: linear transform, symmetric normalization with self-loops,
    # sum aggregation at destination, then bias.
    h = x @ W
    deg = jnp.zeros((num_nodes,), dtype=x.dtype).at[dst].add(1.0)
    deg_inv_sqrt = jnp.where(deg > 0, deg ** -0.5, 0.0)
    norm = deg_inv_sqrt[src] * deg_inv_sqrt[dst]
    msgs = h[src] * norm[:, None]
    out = jnp.zeros((num_nodes, W.shape[1]), dtype=x.dtype).at[dst].add(msgs)
    return out + b


def reference(x, edge_index, W1, b1, W2, b2):
    num_nodes = x.shape[0]
    loop = jnp.arange(num_nodes, dtype=edge_index.dtype)
    src = jnp.concatenate([edge_index[0], loop])
    dst = jnp.concatenate([edge_index[1], loop])
    h = _gcn_conv(x, src, dst, W1, b1, num_nodes)
    h = jax.nn.leaky_relu(h, negative_slope=0.2)
    h = _gcn_conv(h, src, dst, W2, b2, num_nodes)
    return jax.nn.log_softmax(h, axis=1)

if __name__ == "__main__":
    import jax
    _d = setup_inputs()
    print(jax.jit(kernel)(*tuple(_d.values())))

</pallas_src>

<mosaic_0001>
#map = affine_map<(d0, d1) -> (0)>
#map1 = affine_map<(d0, d1) -> (0, 0)>
#map2 = affine_map<(d0, d1) -> (0, 0, 0)>
module attributes {stable_mosaic.version = 14 : i64} {
  func.func @k(%arg0: i32, %arg1: i32, %arg2: memref<327680xi32, #tpu.memory_space<hbm>>, %arg3: memref<128x16xf32, #tpu.memory_space<hbm>>, %arg4: memref<128x16xf32, #tpu.memory_space<hbm>>, %arg5: memref<2x10240x16xf32, #tpu.memory_space<hbm>>, %arg6: memref<128xi32, #tpu.memory_space<vmem>>, %arg7: memref<128x16xf32, #tpu.memory_space<vmem>>, %arg8: memref<10240x16xf32, #tpu.memory_space<vmem_shared>>) attributes {dimension_semantics = [#tpu.dimension_semantics<core_parallel>, #tpu.dimension_semantics<subcore_parallel>], iteration_bounds = array<i64: 2, 16>, scalar_prefetch = 0 : i64, scratch_operands = 3 : i64, tpu.core_type = #tpu.core_type<sc_vector_subcore>, window_params = [{transform_indices = #map}, {transform_indices = #map1}, {transform_indices = #map1}, {transform_indices = #map2}]} {
    %mul3A = arith.constant 2 : i32
    %mul3A_0 = arith.muli %arg1, %mul3A : i32
    %add3A = arith.addi %mul3A_0, %arg0 : i32
    "tpu.region"() ({
      %run_scoped3A = tpu.sem_alloc : memref<!tpu.dma_semaphore, #tpu.memory_space<semaphore_mem>>
      tpu.enqueue_dma source(%arg3 : memref<128x16xf32, #tpu.memory_space<hbm>>) target(%arg7 : memref<128x16xf32, #tpu.memory_space<vmem>>) target_semaphore(%run_scoped3A : memref<!tpu.dma_semaphore, #tpu.memory_space<semaphore_mem>>)
      tpu.wait_dma2 semaphore(%run_scoped3A : memref<!tpu.dma_semaphore, #tpu.memory_space<semaphore_mem>>) src(%arg3 : memref<128x16xf32, #tpu.memory_space<hbm>>) dst(%arg7 : memref<128x16xf32, #tpu.memory_space<vmem>>)
      tpu.yield
    }) : () -> ()
    %mul3A_1 = arith.constant 640 : i32
    %mul3A_2 = arith.muli %arg1, %mul3A_1 : i32
    %add3A_3 = arith.constant 0 : i32
    %add3A_4 = arith.addi %mul3A_2, %add3A_3 : i32
    "tpu.region"() ({
      %run_scoped3A = tpu.sem_alloc : memref<!tpu.dma_semaphore, #tpu.memory_space<semaphore_mem>>
      %dma_start3A = arith.constant 0 : i32
      %dma_start3A_35 = tpu.memref_slice %arg8[%add3A_4, %dma_start3A] : memref<10240x16xf32, #tpu.memory_space<vmem_shared>> -> memref<128x16xf32, #tpu.memory_space<vmem_shared>>
      tpu.enqueue_dma source(%arg4 : memref<128x16xf32, #tpu.memory_space<hbm>>) target(%dma_start3A_35 : memref<128x16xf32, #tpu.memory_space<vmem_shared>>) target_semaphore(%run_scoped3A : memref<!tpu.dma_semaphore, #tpu.memory_space<semaphore_mem>>)
      %dma_wait3A = arith.constant 0 : i32
      %dma_wait3A_36 = tpu.memref_slice %arg8[%add3A_4, %dma_wait3A] : memref<10240x16xf32, #tpu.memory_space<vmem_shared>> -> memref<128x16xf32, #tpu.memory_space<vmem_shared>>
      tpu.wait_dma2 semaphore(%run_scoped3A : memref<!tpu.dma_semaphore, #tpu.memory_space<semaphore_mem>>) src(%arg4 : memref<128x16xf32, #tpu.memory_space<hbm>>) dst(%dma_wait3A_36 : memref<128x16xf32, #tpu.memory_space<vmem_shared>>)
      tpu.yield
    }) : () -> ()
    %mul3A_5 = arith.constant 640 : i32
    %mul3A_6 = arith.muli %arg1, %mul3A_5 : i32
    %add3A_7 = arith.constant 128 : i32
    %add3A_8 = arith.addi %mul3A_6, %add3A_7 : i32
    "tpu.region"() ({
      %run_scoped3A = tpu.sem_alloc : memref<!tpu.dma_semaphore, #tpu.memory_space<semaphore_mem>>
      %dma_start3A = arith.constant 0 : i32
      %dma_start3A_35 = tpu.memref_slice %arg8[%add3A_8, %dma_start3A] : memref<10240x16xf32, #tpu.memory_space<vmem_shared>> -> memref<128x16xf32, #tpu.memory_space<vmem_shared>>
      tpu.enqueue_dma source(%arg4 : memref<128x16xf32, #tpu.memory_space<hbm>>) target(%dma_start3A_35 : memref<128x16xf32, #tpu.memory_space<vmem_shared>>) target_semaphore(%run_scoped3A : memref<!tpu.dma_semaphore, #tpu.memory_space<semaphore_mem>>)
      %dma_wait3A = arith.constant 0 : i32
      %dma_wait3A_36 = tpu.memref_slice %arg8[%add3A_8, %dma_wait3A] : memref<10240x16xf32, #tpu.memory_space<vmem_shared>> -> memref<128x16xf32, #tpu.memory_space<vmem_shared>>
      tpu.wait_dma2 semaphore(%run_scoped3A : memref<!tpu.dma_semaphore, #tpu.memory_space<semaphore_mem>>) src(%arg4 : memref<128x16xf32, #tpu.memory_space<hbm>>) dst(%dma_wait3A_36 : memref<128x16xf32, #tpu.memory_space<vmem_shared>>)
      tpu.yield
    }) : () -> ()
    %mul3A_9 = arith.constant 640 : i32
    %mul3A_10 = arith.muli %arg1, %mul3A_9 : i32
    %add3A_11 = arith.constant 256 : i32
    %add3A_12 = arith.addi %mul3A_10, %add3A_11 : i32
    "tpu.region"() ({
      %run_scoped3A = tpu.sem_alloc : memref<!tpu.dma_semaphore, #tpu.memory_space<semaphore_mem>>
      %dma_start3A = arith.constant 0 : i32
      %dma_start3A_35 = tpu.memref_slice %arg8[%add3A_12, %dma_start3A] : memref<10240x16xf32, #tpu.memory_space<vmem_shared>> -> memref<128x16xf32, #tpu.memory_space<vmem_shared>>
      tpu.enqueue_dma source(%arg4 : memref<128x16xf32, #tpu.memory_space<hbm>>) target(%dma_start3A_35 : memref<128x16xf32, #tpu.memory_space<vmem_shared>>) target_semaphore(%run_scoped3A : memref<!tpu.dma_semaphore, #tpu.memory_space<semaphore_mem>>)
      %dma_wait3A = arith.constant 0 : i32
      %dma_wait3A_36 = tpu.memref_slice %arg8[%add3A_12, %dma_wait3A] : memref<10240x16xf32, #tpu.memory_space<vmem_shared>> -> memref<128x16xf32, #tpu.memory_space<vmem_shared>>
      tpu.wait_dma2 semaphore(%run_scoped3A : memref<!tpu.dma_semaphore, #tpu.memory_space<semaphore_mem>>) src(%arg4 : memref<128x16xf32, #tpu.memory_space<hbm>>) dst(%dma_wait3A_36 : memref<128x16xf32, #tpu.memory_space<vmem_shared>>)
      tpu.yield
    }) : () -> ()
    %mul3A_13 = arith.constant 640 : i32
    %mul3A_14 = arith.muli %arg1, %mul3A_13 : i32
    %add3A_15 = arith.constant 384 : i32
    %add3A_16 = arith.addi %mul3A_14, %add3A_15 : i32
    "tpu.region"() ({
      %run_scoped3A = tpu.sem_alloc : memref<!tpu.dma_semaphore, #tpu.memory_space<semaphore_mem>>
      %dma_start3A = arith.constant 0 : i32
      %dma_start3A_35 = tpu.memref_slice %arg8[%add3A_16, %dma_start3A] : memref<10240x16xf32, #tpu.memory_space<vmem_shared>> -> memref<128x16xf32, #tpu.memory_space<vmem_shared>>
      tpu.enqueue_dma source(%arg4 : memref<128x16xf32, #tpu.memory_space<hbm>>) target(%dma_start3A_35 : memref<128x16xf32, #tpu.memory_space<vmem_shared>>) target_semaphore(%run_scoped3A : memref<!tpu.dma_semaphore, #tpu.memory_space<semaphore_mem>>)
      %dma_wait3A = arith.constant 0 : i32
      %dma_wait3A_36 = tpu.memref_slice %arg8[%add3A_16, %dma_wait3A] : memref<10240x16xf32, #tpu.memory_space<vmem_shared>> -> memref<128x16xf32, #tpu.memory_space<vmem_shared>>
      tpu.wait_dma2 semaphore(%run_scoped3A : memref<!tpu.dma_semaphore, #tpu.memory_space<semaphore_mem>>) src(%arg4 : memref<128x16xf32, #tpu.memory_space<hbm>>) dst(%dma_wait3A_36 : memref<128x16xf32, #tpu.memory_space<vmem_shared>>)
      tpu.yield
    }) : () -> ()
    %mul3A_17 = arith.constant 640 : i32
    %mul3A_18 = arith.muli %arg1, %mul3A_17 : i32
    %add3A_19 = arith.constant 512 : i32
    %add3A_20 = arith.addi %mul3A_18, %add3A_19 : i32
    "tpu.region"() ({
      %run_scoped3A = tpu.sem_alloc : memref<!tpu.dma_semaphore, #tpu.memory_space<semaphore_mem>>
      %dma_start3A = arith.constant 0 : i32
      %dma_start3A_35 = tpu.memref_slice %arg8[%add3A_20, %dma_start3A] : memref<10240x16xf32, #tpu.memory_space<vmem_shared>> -> memref<128x16xf32, #tpu.memory_space<vmem_shared>>
      tpu.enqueue_dma source(%arg4 : memref<128x16xf32, #tpu.memory_space<hbm>>) target(%dma_start3A_35 : memref<128x16xf32, #tpu.memory_space<vmem_shared>>) target_semaphore(%run_scoped3A : memref<!tpu.dma_semaphore, #tpu.memory_space<semaphore_mem>>)
      %dma_wait3A = arith.constant 0 : i32
      %dma_wait3A_36 = tpu.memref_slice %arg8[%add3A_20, %dma_wait3A] : memref<10240x16xf32, #tpu.memory_space<vmem_shared>> -> memref<128x16xf32, #tpu.memory_space<vmem_shared>>
      tpu.wait_dma2 semaphore(%run_scoped3A : memref<!tpu.dma_semaphore, #tpu.memory_space<semaphore_mem>>) src(%arg4 : memref<128x16xf32, #tpu.memory_space<hbm>>) dst(%dma_wait3A_36 : memref<128x16xf32, #tpu.memory_space<vmem_shared>>)
      tpu.yield
    }) : () -> ()
    %barrier3A = arith.constant 0 : index
    tpu.barrier barrier_id(%barrier3A)
    %mul3A_21 = arith.constant 80 : i32
    %mul3A_22 = arith.muli %add3A, %mul3A_21 : i32
    %mul3A_23 = arith.constant 128 : i32
    %mul3A_24 = arith.muli %mul3A_22, %mul3A_23 : i32
    %scan3A = arith.constant 0 : i32
    %scan3A_25 = arith.constant 0 : i32
    %scan3A_26 = arith.constant 80 : i32
    %scan3A_27 = arith.addi %scan3A_25, %scan3A_26 : i32
    %scan3A_28 = arith.constant 1 : i32
    scf.for %scan3A_35 = %scan3A_25 to %scan3A_27 step %scan3A_28  : i32 {
      %mul3A_36 = arith.constant 128 : i32
      %mul3A_37 = arith.muli %scan3A_35, %mul3A_36 : i32
      %add3A_38 = arith.addi %mul3A_24, %mul3A_37 : i32
      "tpu.region"() ({
        %run_scoped3A = tpu.sem_alloc : memref<!tpu.dma_semaphore, #tpu.memory_space<semaphore_mem>>
        %dma_start3A = tpu.memref_slice %arg2[%add3A_38] : memref<327680xi32, #tpu.memory_space<hbm>> -> memref<128xi32, #tpu.memory_space<hbm>>
        %dma_start3A_39 = tpu.memref_slice %arg2[%add3A_38] : memref<327680xi32, #tpu.memory_space<hbm>> -> memref<128xi32, #tpu.memory_space<hbm>>
        tpu.enqueue_dma source(%dma_start3A_39 : memref<128xi32, #tpu.memory_space<hbm>>) target(%arg6 : memref<128xi32, #tpu.memory_space<vmem>>) target_semaphore(%run_scoped3A : memref<!tpu.dma_semaphore, #tpu.memory_space<semaphore_mem>>)
        %dma_wait3A = tpu.memref_slice %arg2[%add3A_38] : memref<327680xi32, #tpu.memory_space<hbm>> -> memref<128xi32, #tpu.memory_space<hbm>>
        %dma_wait3A_40 = tpu.memref_slice %arg2[%add3A_38] : memref<327680xi32, #tpu.memory_space<hbm>> -> memref<128xi32, #tpu.memory_space<hbm>>
        tpu.wait_dma2 semaphore(%run_scoped3A : memref<!tpu.dma_semaphore, #tpu.memory_space<semaphore_mem>>) src(%dma_wait3A_40 : memref<128xi32, #tpu.memory_space<hbm>>) dst(%arg6 : memref<128xi32, #tpu.memory_space<vmem>>)
        tpu.yield
      }) : () -> ()
      "tpu.region"() ({
        %run_scoped3A = tpu.sem_alloc : memref<!tpu.dma_semaphore, #tpu.memory_space<semaphore_mem>>
        %dma_start3A = arith.constant 0 : i32
        %dma_start3A_39 = arith.constant 0 : i32
        %dma_start3A_40 = tpu.memref_slice %arg8[%dma_start3A, %dma_start3A_39] : memref<10240x16xf32, #tpu.memory_space<vmem_shared>> -> memref<10240x16xf32, #tpu.memory_space<vmem_shared>>
        tpu.enqueue_indirect_dma source(%arg7 : memref<128x16xf32, #tpu.memory_space<vmem>>) target(%dma_start3A_40 : memref<10240x16xf32, #tpu.memory_space<vmem_shared>>) offsets(%arg6 : memref<128xi32, #tpu.memory_space<vmem>>) semaphore(%run_scoped3A : memref<!tpu.dma_semaphore, #tpu.memory_space<semaphore_mem>>) {add = true}
        %dma_wait3A = arith.constant 0 : i32
        %dma_wait3A_41 = arith.constant 0 : i32
        %dma_wait3A_42 = tpu.memref_slice %arg8[%dma_wait3A, %dma_wait3A_41] : memref<10240x16xf32, #tpu.memory_space<vmem_shared>> -> memref<10240x16xf32, #tpu.memory_space<vmem_shared>>
        tpu.wait_indirect_dma semaphore(%run_scoped3A : memref<!tpu.dma_semaphore, #tpu.memory_space<semaphore_mem>>) src(%arg7 : memref<128x16xf32, #tpu.memory_space<vmem>>) dst(%dma_wait3A_42 : memref<10240x16xf32, #tpu.memory_space<vmem_shared>>)
        tpu.yield
      }) : () -> ()
    }
    %scan3A_29 = arith.constant 80 : i32
    %barrier3A_30 = arith.constant 0 : index
    tpu.barrier barrier_id(%barrier3A_30)
    %mul3A_31 = arith.constant 640 : i32
    %mul3A_32 = arith.muli %arg1, %mul3A_31 : i32
    %mul3A_33 = arith.constant 640 : i32
    %mul3A_34 = arith.muli %arg1, %mul3A_33 : i32
    "tpu.region"() ({
      %run_scoped3A = tpu.sem_alloc : memref<!tpu.dma_semaphore, #tpu.memory_space<semaphore_mem>>
      %dma_start3A = arith.constant 0 : i32
      %dma_start3A_35 = tpu.memref_slice %arg5[%arg0, %mul3A_34, %dma_start3A] : memref<2x10240x16xf32, #tpu.memory_space<hbm>> -> memref<1x640x16xf32, #tpu.memory_space<hbm>>
      %dma_start3A_36 = tpu.memref_squeeze %dma_start3A_35 : memref<1x640x16xf32, #tpu.memory_space<hbm>> -> memref<640x16xf32, #tpu.memory_space<hbm>>
      %dma_start3A_37 = arith.constant 0 : i32
      %dma_start3A_38 = tpu.memref_slice %arg8[%mul3A_32, %dma_start3A_37] : memref<10240x16xf32, #tpu.memory_space<vmem_shared>> -> memref<640x16xf32, #tpu.memory_space<vmem_shared>>
      tpu.enqueue_dma source(%dma_start3A_38 : memref<640x16xf32, #tpu.memory_space<vmem_shared>>) target(%dma_start3A_36 : memref<640x16xf32, #tpu.memory_space<hbm>>) target_semaphore(%run_scoped3A : memref<!tpu.dma_semaphore, #tpu.memory_space<semaphore_mem>>)
      %dma_wait3A = arith.constant 0 : i32
      %dma_wait3A_39 = tpu.memref_slice %arg5[%arg0, %mul3A_34, %dma_wait3A] : memref<2x10240x16xf32, #tpu.memory_space<hbm>> -> memref<1x640x16xf32, #tpu.memory_space<hbm>>
      %dma_wait3A_40 = tpu.memref_squeeze %dma_wait3A_39 : memref<1x640x16xf32, #tpu.memory_space<hbm>> -> memref<640x16xf32, #tpu.memory_space<hbm>>
      %dma_wait3A_41 = arith.constant 0 : i32
      %dma_wait3A_42 = tpu.memref_slice %arg8[%mul3A_32, %dma_wait3A_41] : memref<10240x16xf32, #tpu.memory_space<vmem_shared>> -> memref<640x16xf32, #tpu.memory_space<vmem_shared>>
      tpu.wait_dma2 semaphore(%run_scoped3A : memref<!tpu.dma_semaphore, #tpu.memory_space<semaphore_mem>>) src(%dma_wait3A_42 : memref<640x16xf32, #tpu.memory_space<vmem_shared>>) dst(%dma_wait3A_40 : memref<640x16xf32, #tpu.memory_space<hbm>>)
      tpu.yield
    }) : () -> ()
    return
  }
}

#map = affine_map<(d0, d1) -> (0, 0)>
#map1 = affine_map<(d0, d1) -> (0)>
#map2 = affine_map<(d0, d1) -> (0, 0, 0)>
module attributes {stable_mosaic.version = 14 : i64} {
  func.func @k(%arg0: i32, %arg1: i32, %arg2: memref<10000x16xf32, #tpu.memory_space<hbm>>, %arg3: memref<327680xi32, #tpu.memory_space<hbm>>, %arg4: memref<327680xi32, #tpu.memory_space<hbm>>, %arg5: memref<128x16xf32, #tpu.memory_space<hbm>>, %arg6: memref<2x10240x16xf32, #tpu.memory_space<hbm>>, %arg7: memref<2x128xi32, #tpu.memory_space<vmem>>, %arg8: memref<2x128xi32, #tpu.memory_space<vmem>>, %arg9: memref<128x16xf32, #tpu.memory_space<vmem>>, %arg10: memref<128x16xf32, #tpu.memory_space<vmem>>, %arg11: memref<10240x16xf32, #tpu.memory_space<vmem_shared>>, %arg12: memref<!tpu.dma_semaphore, #tpu.memory_space<semaphore_mem>>, %arg13: memref<!tpu.dma_semaphore, #tpu.memory_space<semaphore_mem>>, %arg14: memref<!tpu.dma_semaphore, #tpu.memory_space<semaphore_mem>>, %arg15: memref<!tpu.dma_semaphore, #tpu.memory_space<semaphore_mem>>, %arg16: memref<!tpu.dma_semaphore, #tpu.memory_space<semaphore_mem>>, %arg17: memref<!tpu.dma_semaphore, #tpu.memory_space<semaphore_mem>>) attributes {dimension_semantics = [#tpu.dimension_semantics<core_parallel>, #tpu.dimension_semantics<subcore_parallel>], iteration_bounds = array<i64: 2, 16>, scalar_prefetch = 0 : i64, scratch_operands = 11 : i64, tpu.core_type = #tpu.core_type<sc_vector_subcore>, window_params = [{transform_indices = #map}, {transform_indices = #map1}, {transform_indices = #map1}, {transform_indices = #map}, {transform_indices = #map2}]} {
    %mul3A = arith.constant 2 : i32
    %mul3A_0 = arith.muli %arg1, %mul3A : i32
    %add3A = arith.addi %mul3A_0, %arg0 : i32
    %mul3A_1 = arith.constant 640 : i32
    %mul3A_2 = arith.muli %arg1, %mul3A_1 : i32
    %add3A_3 = arith.constant 0 : i32
    %add3A_4 = arith.addi %mul3A_2, %add3A_3 : i32
    "tpu.region"() ({
      %run_scoped3A_150 = tpu.sem_alloc : memref<!tpu.dma_semaphore, #tpu.memory_space<semaphore_mem>>
      %dma_start3A_151 = arith.constant 0 : i32
      %dma_start3A_152 = tpu.memref_slice %arg11[%add3A_4, %dma_start3A_151] : memref<10240x16xf32, #tpu.memory_space<vmem_shared>> -> memref<128x16xf32, #tpu.memory_space<vmem_shared>>
      tpu.enqueue_dma source(%arg5 : memref<128x16xf32, #tpu.memory_space<hbm>>) target(%dma_start3A_152 : memref<128x16xf32, #tpu.memory_space<vmem_shared>>) target_semaphore(%run_scoped3A_150 : memref<!tpu.dma_semaphore, #tpu.memory_space<semaphore_mem>>)
      %dma_wait3A_153 = arith.constant 0 : i32
      %dma_wait3A_154 = tpu.memref_slice %arg11[%add3A_4, %dma_wait3A_153] : memref<10240x16xf32, #tpu.memory_space<vmem_shared>> -> memref<128x16xf32, #tpu.memory_space<vmem_shared>>
      tpu.wait_dma2 semaphore(%run_scoped3A_150 : memref<!tpu.dma_semaphore, #tpu.memory_space<semaphore_mem>>) src(%arg5 : memref<128x16xf32, #tpu.memory_space<hbm>>) dst(%dma_wait3A_154 : memref<128x16xf32, #tpu.memory_space<vmem_shared>>)
      tpu.yield
    }) : () -> ()
    %mul3A_5 = arith.constant 640 : i32
    %mul3A_6 = arith.muli %arg1, %mul3A_5 : i32
    %add3A_7 = arith.constant 128 : i32
    %add3A_8 = arith.addi %mul3A_6, %add3A_7 : i32
    "tpu.region"() ({
      %run_scoped3A_150 = tpu.sem_alloc : memref<!tpu.dma_semaphore, #tpu.memory_space<semaphore_mem>>
      %dma_start3A_151 = arith.constant 0 : i32
      %dma_start3A_152 = tpu.memref_slice %arg11[%add3A_8, %dma_start3A_151] : memref<10240x16xf32, #tpu.memory_space<vmem_shared>> -> memref<128x16xf32, #tpu.memory_space<vmem_shared>>
      tpu.enqueue_dma source(%arg5 : memref<128x16xf32, #tpu.memory_space<hbm>>) target(%dma_start3A_152 : memref<128x16xf32, #tpu.memory_space<vmem_shared>>) target_semaphore(%run_scoped3A_150 : memref<!tpu.dma_semaphore, #tpu.memory_space<semaphore_mem>>)
      %dma_wait3A_153 = arith.constant 0 : i32
      %dma_wait3A_154 = tpu.memref_slice %arg11[%add3A_8, %dma_wait3A_153] : memref<10240x16xf32, #tpu.memory_space<vmem_shared>> -> memref<128x16xf32, #tpu.memory_space<vmem_shared>>
      tpu.wait_dma2 semaphore(%run_scoped3A_150 : memref<!tpu.dma_semaphore, #tpu.memory_space<semaphore_mem>>) src(%arg5 : memref<128x16xf32, #tpu.memory_space<hbm>>) dst(%dma_wait3A_154 : memref<128x16xf32, #tpu.memory_space<vmem_shared>>)
      tpu.yield
    }) : () -> ()
    %mul3A_9 = arith.constant 640 : i32
    %mul3A_10 = arith.muli %arg1, %mul3A_9 : i32
    %add3A_11 = arith.constant 256 : i32
    %add3A_12 = arith.addi %mul3A_10, %add3A_11 : i32
    "tpu.region"() ({
      %run_scoped3A_150 = tpu.sem_alloc : memref<!tpu.dma_semaphore, #tpu.memory_space<semaphore_mem>>
      %dma_start3A_151 = arith.constant 0 : i32
      %dma_start3A_152 = tpu.memref_slice %arg11[%add3A_12, %dma_start3A_151] : memref<10240x16xf32, #tpu.memory_space<vmem_shared>> -> memref<128x16xf32, #tpu.memory_space<vmem_shared>>
      tpu.enqueue_dma source(%arg5 : memref<128x16xf32, #tpu.memory_space<hbm>>) target(%dma_start3A_152 : memref<128x16xf32, #tpu.memory_space<vmem_shared>>) target_semaphore(%run_scoped3A_150 : memref<!tpu.dma_semaphore, #tpu.memory_space<semaphore_mem>>)
      %dma_wait3A_153 = arith.constant 0 : i32
      %dma_wait3A_154 = tpu.memref_slice %arg11[%add3A_12, %dma_wait3A_153] : memref<10240x16xf32, #tpu.memory_space<vmem_shared>> -> memref<128x16xf32, #tpu.memory_space<vmem_shared>>
      tpu.wait_dma2 semaphore(%run_scoped3A_150 : memref<!tpu.dma_semaphore, #tpu.memory_space<semaphore_mem>>) src(%arg5 : memref<128x16xf32, #tpu.memory_space<hbm>>) dst(%dma_wait3A_154 : memref<128x16xf32, #tpu.memory_space<vmem_shared>>)
      tpu.yield
    }) : () -> ()
    %mul3A_13 = arith.constant 640 : i32
    %mul3A_14 = arith.muli %arg1, %mul3A_13 : i32
    %add3A_15 = arith.constant 384 : i32
    %add3A_16 = arith.addi %mul3A_14, %add3A_15 : i32
    "tpu.region"() ({
      %run_scoped3A_150 = tpu.sem_alloc : memref<!tpu.dma_semaphore, #tpu.memory_space<semaphore_mem>>
      %dma_start3A_151 = arith.constant 0 : i32
      %dma_start3A_152 = tpu.memref_slice %arg11[%add3A_16, %dma_start3A_151] : memref<10240x16xf32, #tpu.memory_space<vmem_shared>> -> memref<128x16xf32, #tpu.memory_space<vmem_shared>>
      tpu.enqueue_dma source(%arg5 : memref<128x16xf32, #tpu.memory_space<hbm>>) target(%dma_start3A_152 : memref<128x16xf32, #tpu.memory_space<vmem_shared>>) target_semaphore(%run_scoped3A_150 : memref<!tpu.dma_semaphore, #tpu.memory_space<semaphore_mem>>)
      %dma_wait3A_153 = arith.constant 0 : i32
      %dma_wait3A_154 = tpu.memref_slice %arg11[%add3A_16, %dma_wait3A_153] : memref<10240x16xf32, #tpu.memory_space<vmem_shared>> -> memref<128x16xf32, #tpu.memory_space<vmem_shared>>
      tpu.wait_dma2 semaphore(%run_scoped3A_150 : memref<!tpu.dma_semaphore, #tpu.memory_space<semaphore_mem>>) src(%arg5 : memref<128x16xf32, #tpu.memory_space<hbm>>) dst(%dma_wait3A_154 : memref<128x16xf32, #tpu.memory_space<vmem_shared>>)
      tpu.yield
    }) : () -> ()
    %mul3A_17 = arith.constant 640 : i32
    %mul3A_18 = arith.muli %arg1, %mul3A_17 : i32
    %add3A_19 = arith.constant 512 : i32
    %add3A_20 = arith.addi %mul3A_18, %add3A_19 : i32
    "tpu.region"() ({
      %run_scoped3A_150 = tpu.sem_alloc : memref<!tpu.dma_semaphore, #tpu.memory_space<semaphore_mem>>
      %dma_start3A_151 = arith.constant 0 : i32
      %dma_start3A_152 = tpu.memref_slice %arg11[%add3A_20, %dma_start3A_151] : memref<10240x16xf32, #tpu.memory_space<vmem_shared>> -> memref<128x16xf32, #tpu.memory_space<vmem_shared>>
      tpu.enqueue_dma source(%arg5 : memref<128x16xf32, #tpu.memory_space<hbm>>) target(%dma_start3A_152 : memref<128x16xf32, #tpu.memory_space<vmem_shared>>) target_semaphore(%run_scoped3A_150 : memref<!tpu.dma_semaphore, #tpu.memory_space<semaphore_mem>>)
      %dma_wait3A_153 = arith.constant 0 : i32
      %dma_wait3A_154 = tpu.memref_slice %arg11[%add3A_20, %dma_wait3A_153] : memref<10240x16xf32, #tpu.memory_space<vmem_shared>> -> memref<128x16xf32, #tpu.memory_space<vmem_shared>>
      tpu.wait_dma2 semaphore(%run_scoped3A_150 : memref<!tpu.dma_semaphore, #tpu.memory_space<semaphore_mem>>) src(%arg5 : memref<128x16xf32, #tpu.memory_space<hbm>>) dst(%dma_wait3A_154 : memref<128x16xf32, #tpu.memory_space<vmem_shared>>)
      tpu.yield
    }) : () -> ()
    %barrier3A = arith.constant 0 : index
    tpu.barrier barrier_id(%barrier3A)
    %mul3A_21 = arith.constant 80 : i32
    %mul3A_22 = arith.muli %add3A, %mul3A_21 : i32
    %mul3A_23 = arith.constant 128 : i32
    %mul3A_24 = arith.muli %mul3A_22, %mul3A_23 : i32
    %add3A_25 = arith.constant 0 : i32
    %add3A_26 = arith.addi %mul3A_24, %add3A_25 : i32
    %dma_start3A = arith.constant 0 : i32
    %dma_start3A_27 = arith.constant 0 : i32
    %dma_start3A_28 = tpu.memref_slice %arg7[%dma_start3A, %dma_start3A_27] : memref<2x128xi32, #tpu.memory_space<vmem>> -> memref<1x128xi32, #tpu.memory_space<vmem>>
    %dma_start3A_29 = tpu.memref_squeeze %dma_start3A_28 : memref<1x128xi32, #tpu.memory_space<vmem>> -> memref<128xi32, #tpu.memory_space<vmem>>
    %dma_start3A_30 = tpu.memref_slice %arg3[%add3A_26] : memref<327680xi32, #tpu.memory_space<hbm>> -> memref<128xi32, #tpu.memory_space<hbm>>
    %dma_start3A_31 = arith.constant 0 : i32
    %dma_start3A_32 = tpu.memref_slice %arg7[%dma_start3A, %dma_start3A_31] : memref<2x128xi32, #tpu.memory_space<vmem>> -> memref<1x128xi32, #tpu.memory_space<vmem>>
    %dma_start3A_33 = tpu.memref_squeeze %dma_start3A_32 : memref<1x128xi32, #tpu.memory_space<vmem>> -> memref<128xi32, #tpu.memory_space<vmem>>
    %dma_start3A_34 = tpu.memref_slice %arg3[%add3A_26] : memref<327680xi32, #tpu.memory_space<hbm>> -> memref<128xi32, #tpu.memory_space<hbm>>
    tpu.enqueue_dma source(%dma_start3A_34 : memref<128xi32, #tpu.memory_space<hbm>>) target(%dma_start3A_33 : memref<128xi32, #tpu.memory_space<vmem>>) target_semaphore(%arg12 : memref<!tpu.dma_semaphore, #tpu.memory_space<semaphore_mem>>)
    %add3A_35 = arith.constant 0 : i32
    %add3A_36 = arith.addi %mul3A_24, %add3A_35 : i32
    %dma_start3A_37 = arith.constant 0 : i32
    %dma_start3A_38 = arith.constant 0 : i32
    %dma_start3A_39 = tpu.memref_slice %arg8[%dma_start3A_37, %dma_start3A_38] : memref<2x128xi32, #tpu.memory_space<vmem>> -> memref<1x128xi32, #tpu.memory_space<vmem>>
    %dma_start3A_40 = tpu.memref_squeeze %dma_start3A_39 : memref<1x128xi32, #tpu.memory_space<vmem>> -> memref<128xi32, #tpu.memory_space<vmem>>
    %dma_start3A_41 = tpu.memref_slice %arg4[%add3A_36] : memref<327680xi32, #tpu.memory_space<hbm>> -> memref<128xi32, #tpu.memory_space<hbm>>
    %dma_start3A_42 = arith.constant 0 : i32
    %dma_start3A_43 = tpu.memref_slice %arg8[%dma_start3A_37, %dma_start3A_42] : memref<2x128xi32, #tpu.memory_space<vmem>> -> memref<1x128xi32, #tpu.memory_space<vmem>>
    %dma_start3A_44 = tpu.memref_squeeze %dma_start3A_43 : memref<1x128xi32, #tpu.memory_space<vmem>> -> memref<128xi32, #tpu.memory_space<vmem>>
    %dma_start3A_45 = tpu.memref_slice %arg4[%add3A_36] : memref<327680xi32, #tpu.memory_space<hbm>> -> memref<128xi32, #tpu.memory_space<hbm>>
    tpu.enqueue_dma source(%dma_start3A_45 : memref<128xi32, #tpu.memory_space<hbm>>) target(%dma_start3A_44 : memref<128xi32, #tpu.memory_space<vmem>>) target_semaphore(%arg14 : memref<!tpu.dma_semaphore, #tpu.memory_space<semaphore_mem>>)
    %add3A_46 = arith.constant 0 : i32
    %add3A_47 = arith.addi %mul3A_24, %add3A_46 : i32
    %dma_wait3A = arith.constant 0 : i32
    %dma_wait3A_48 = arith.constant 0 : i32
    %dma_wait3A_49 = tpu.memref_slice %arg7[%dma_wait3A, %dma_wait3A_48] : memref<2x128xi32, #tpu.memory_space<vmem>> -> memref<1x128xi32, #tpu.memory_space<vmem>>
    %dma_wait3A_50 = tpu.memref_squeeze %dma_wait3A_49 : memref<1x128xi32, #tpu.memory_space<vmem>> -> memref<128xi32, #tpu.memory_space<vmem>>
    %dma_wait3A_51 = tpu.memref_slice %arg3[%add3A_47] : memref<327680xi32, #tpu.memory_space<hbm>> -> memref<128xi32, #tpu.memory_space<hbm>>
    %dma_wait3A_52 = arith.constant 0 : i32
    %dma_wait3A_53 = tpu.memref_slice %arg7[%dma_wait3A, %dma_wait3A_52] : memref<2x128xi32, #tpu.memory_space<vmem>> -> memref<1x128xi32, #tpu.memory_space<vmem>>
    %dma_wait3A_54 = tpu.memref_squeeze %dma_wait3A_53 : memref<1x128xi32, #tpu.memory_space<vmem>> -> memref<128xi32, #tpu.memory_space<vmem>>
    %dma_wait3A_55 = tpu.memref_slice %arg3[%add3A_47] : memref<327680xi32, #tpu.memory_space<hbm>> -> memref<128xi32, #tpu.memory_space<hbm>>
    tpu.wait_dma2 semaphore(%arg12 : memref<!tpu.dma_semaphore, #tpu.memory_space<semaphore_mem>>) src(%dma_wait3A_55 : memref<128xi32, #tpu.memory_space<hbm>>) dst(%dma_wait3A_54 : memref<128xi32, #tpu.memory_space<vmem>>)
    %dma_start3A_56 = arith.constant 0 : i32
    %dma_start3A_57 = arith.constant 0 : i32
    %dma_start3A_58 = tpu.memref_slice %arg7[%dma_start3A_56, %dma_start3A_57] : memref<2x128xi32, #tpu.memory_space<vmem>> -> memref<1x128xi32, #tpu.memory_space<vmem>>
    %dma_start3A_59 = tpu.memref_squeeze %dma_start3A_58 : memref<1x128xi32, #tpu.memory_space<vmem>> -> memref<128xi32, #tpu.memory_space<vmem>>
    %dma_start3A_60 = arith.constant 0 : i32
    %dma_start3A_61 = arith.constant 0 : i32
    %dma_start3A_62 = tpu.memref_slice %arg2[%dma_start3A_60, %dma_start3A_61] : memref<10000x16xf32, #tpu.memory_space<hbm>> -> memref<10000x16xf32, #tpu.memory_space<hbm>>
    tpu.enqueue_indirect_dma source(%dma_start3A_62 : memref<10000x16xf32, #tpu.memory_space<hbm>>) target(%arg9 : memref<128x16xf32, #tpu.memory_space<vmem>>) offsets(%dma_start3A_59 : memref<128xi32, #tpu.memory_space<vmem>>) semaphore(%arg16 : memref<!tpu.dma_semaphore, #tpu.memory_space<semaphore_mem>>)
    %add3A_63 = arith.constant 128 : i32
    %add3A_64 = arith.addi %mul3A_24, %add3A_63 : i32
    %dma_start3A_65 = arith.constant 1 : i32
    %dma_start3A_66 = arith.constant 0 : i32
    %dma_start3A_67 = tpu.memref_slice %arg7[%dma_start3A_65, %dma_start3A_66] : memref<2x128xi32, #tpu.memory_space<vmem>> -> memref<1x128xi32, #tpu.memory_space<vmem>>
    %dma_start3A_68 = tpu.memref_squeeze %dma_start3A_67 : memref<1x128xi32, #tpu.memory_space<vmem>> -> memref<128xi32, #tpu.memory_space<vmem>>
    %dma_start3A_69 = tpu.memref_slice %arg3[%add3A_64] : memref<327680xi32, #tpu.memory_space<hbm>> -> memref<128xi32, #tpu.memory_space<hbm>>
    %dma_start3A_70 = arith.constant 0 : i32
    %dma_start3A_71 = tpu.memref_slice %arg7[%dma_start3A_65, %dma_start3A_70] : memref<2x128xi32, #tpu.memory_space<vmem>> -> memref<1x128xi32, #tpu.memory_space<vmem>>
    %dma_start3A_72 = tpu.memref_squeeze %dma_start3A_71 : memref<1x128xi32, #tpu.memory_space<vmem>> -> memref<128xi32, #tpu.memory_space<vmem>>
    %dma_start3A_73 = tpu.memref_slice %arg3[%add3A_64] : memref<327680xi32, #tpu.memory_space<hbm>> -> memref<128xi32, #tpu.memory_space<hbm>>
    tpu.enqueue_dma source(%dma_start3A_73 : memref<128xi32, #tpu.memory_space<hbm>>) target(%dma_start3A_72 : memref<128xi32, #tpu.memory_space<vmem>>) target_semaphore(%arg13 : memref<!tpu.dma_semaphore, #tpu.memory_space<semaphore_mem>>)
    %add3A_74 = arith.constant 128 : i32
    %add3A_75 = arith.addi %mul3A_24, %add3A_74 : i32
    %dma_start3A_76 = arith.constant 1 : i32
    %dma_start3A_77 = arith.constant 0 : i32
    %dma_start3A_78 = tpu.memref_slice %arg8[%dma_start3A_76, %dma_start3A_77] : memref<2x128xi32, #tpu.memory_space<vmem>> -> memref<1x128xi32, #tpu.memory_space<vmem>>
    %dma_start3A_79 = tpu.memref_squeeze %dma_start3A_78 : memref<1x128xi32, #tpu.memory_space<vmem>> -> memref<128xi32, #tpu.memory_space<vmem>>
    %dma_start3A_80 = tpu.memref_slice %arg4[%add3A_75] : memref<327680xi32, #tpu.memory_space<hbm>> -> memref<128xi32, #tpu.memory_space<hbm>>
    %dma_start3A_81 = arith.constant 0 : i32
    %dma_start3A_82 = tpu.memref_slice %arg8[%dma_start3A_76, %dma_start3A_81] : memref<2x128xi32, #tpu.memory_space<vmem>> -> memref<1x128xi32, #tpu.memory_space<vmem>>
    %dma_start3A_83 = tpu.memref_squeeze %dma_start3A_82 : memref<1x128xi32, #tpu.memory_space<vmem>> -> memref<128xi32, #tpu.memory_space<vmem>>
    %dma_start3A_84 = tpu.memref_slice %arg4[%add3A_75] : memref<327680xi32, #tpu.memory_space<hbm>> -> memref<128xi32, #tpu.memory_space<hbm>>
    tpu.enqueue_dma source(%dma_start3A_84 : memref<128xi32, #tpu.memory_space<hbm>>) target(%dma_start3A_83 : memref<128xi32, #tpu.memory_space<vmem>>) target_semaphore(%arg15 : memref<!tpu.dma_semaphore, #tpu.memory_space<semaphore_mem>>)
    %scan3A = arith.constant 0 : i32
    %scan3A_85 = arith.constant 0 : i32
    %scan3A_86 = arith.constant 39 : i32
    %scan3A_87 = arith.addi %scan3A_85, %scan3A_86 : i32
    %scan3A_88 = arith.constant 1 : i32
    scf.for %scan3A_150 = %scan3A_85 to %scan3A_87 step %scan3A_88  : i32 {
      %mul3A_151 = arith.constant 2 : i32
      %mul3A_152 = arith.muli %mul3A_151, %scan3A_150 : i32
      %add3A_153 = arith.constant 1 : i32
      %add3A_154 = arith.addi %mul3A_152, %add3A_153 : i32
      %mul3A_155 = arith.constant 128 : i32
      %mul3A_156 = arith.muli %add3A_154, %mul3A_155 : i32
      %add3A_157 = arith.addi %mul3A_24, %mul3A_156 : i32
      %dma_wait3A_158 = arith.constant 1 : i32
      %dma_wait3A_159 = arith.constant 0 : i32
      %dma_wait3A_160 = tpu.memref_slice %arg7[%dma_wait3A_158, %dma_wait3A_159] : memref<2x128xi32, #tpu.memory_space<vmem>> -> memref<1x128xi32, #tpu.memory_space<vmem>>
      %dma_wait3A_161 = tpu.memref_squeeze %dma_wait3A_160 : memref<1x128xi32, #tpu.memory_space<vmem>> -> memref<128xi32, #tpu.memory_space<vmem>>
      %dma_wait3A_162 = tpu.memref_slice %arg3[%add3A_157] : memref<327680xi32, #tpu.memory_space<hbm>> -> memref<128xi32, #tpu.memory_space<hbm>>
      %dma_wait3A_163 = arith.constant 0 : i32
      %dma_wait3A_164 = tpu.memref_slice %arg7[%dma_wait3A_158, %dma_wait3A_163] : memref<2x128xi32, #tpu.memory_space<vmem>> -> memref<1x128xi32, #tpu.memory_space<vmem>>
      %dma_wait3A_165 = tpu.memref_squeeze %dma_wait3A_164 : memref<1x128xi32, #tpu.memory_space<vmem>> -> memref<128xi32, #tpu.memory_space<vmem>>
      %dma_wait3A_166 = tpu.memref_slice %arg3[%add3A_157] : memref<327680xi32, #tpu.memory_space<hbm>> -> memref<128xi32, #tpu.memory_space<hbm>>
      tpu.wait_dma2 semaphore(%arg13 : memref<!tpu.dma_semaphore, #tpu.memory_space<semaphore_mem>>) src(%dma_wait3A_166 : memref<128xi32, #tpu.memory_space<hbm>>) dst(%dma_wait3A_165 : memref<128xi32, #tpu.memory_space<vmem>>)
      %dma_start3A_167 = arith.constant 1 : i32
      %dma_start3A_168 = arith.constant 0 : i32
      %dma_start3A_169 = tpu.memref_slice %arg7[%dma_start3A_167, %dma_start3A_168] : memref<2x128xi32, #tpu.memory_space<vmem>> -> memref<1x128xi32, #tpu.memory_space<vmem>>
      %dma_start3A_170 = tpu.memref_squeeze %dma_start3A_169 : memref<1x128xi32, #tpu.memory_space<vmem>> -> memref<128xi32, #tpu.memory_space<vmem>>
      %dma_start3A_171 = arith.constant 0 : i32
      %dma_start3A_172 = arith.constant 0 : i32
      %dma_start3A_173 = tpu.memref_slice %arg2[%dma_start3A_171, %dma_start3A_172] : memref<10000x16xf32, #tpu.memory_space<hbm>> -> memref<10000x16xf32, #tpu.memory_space<hbm>>
      tpu.enqueue_indirect_dma source(%dma_start3A_173 : memref<10000x16xf32, #tpu.memory_space<hbm>>) target(%arg10 : memref<128x16xf32, #tpu.memory_space<vmem>>) offsets(%dma_start3A_170 : memref<128xi32, #tpu.memory_space<vmem>>) semaphore(%arg17 : memref<!tpu.dma_semaphore, #tpu.memory_space<semaphore_mem>>)
      %dma_wait3A_174 = arith.constant 0 : i32
      %dma_wait3A_175 = arith.constant 0 : i32
      %dma_wait3A_176 = tpu.memref_slice %arg7[%dma_wait3A_174, %dma_wait3A_175] : memref<2x128xi32, #tpu.memory_space<vmem>> -> memref<1x128xi32, #tpu.memory_space<vmem>>
      %dma_wait3A_177 = tpu.memref_squeeze %dma_wait3A_176 : memref<1x128xi32, #tpu.memory_space<vmem>> -> memref<128xi32, #tpu.memory_space<vmem>>
      %dma_wait3A_178 = arith.constant 0 : i32
      %dma_wait3A_179 = arith.constant 0 : i32
      %dma_wait3A_180 = tpu.memref_slice %arg2[%dma_wait3A_178, %dma_wait3A_179] : memref<10000x16xf32, #tpu.memory_space<hbm>> -> memref<10000x16xf32, #tpu.memory_space<hbm>>
      tpu.wait_indirect_dma semaphore(%arg16 : memref<!tpu.dma_semaphore, #tpu.memory_space<semaphore_mem>>) src(%dma_wait3A_180 : memref<10000x16xf32, #tpu.memory_space<hbm>>) dst(%arg9 : memref<128x16xf32, #tpu.memory_space<vmem>>)
      %add3A_181 = arith.constant 2 : i32
      %add3A_182 = arith.addi %mul3A_152, %add3A_181 : i32
      %mul3A_183 = arith.constant 128 : i32
      %mul3A_184 = arith.muli %add3A_182, %mul3A_183 : i32
      %add3A_185 = arith.addi %mul3A_24, %mul3A_184 : i32
      %dma_start3A_186 = arith.constant 0 : i32
      %dma_start3A_187 = arith.constant 0 : i32
      %dma_start3A_188 = tpu.memref_slice %arg7[%dma_start3A_186, %dma_start3A_187] : memref<2x128xi32, #tpu.memory_space<vmem>> -> memref<1x128xi32, #tpu.memory_space<vmem>>
      %dma_start3A_189 = tpu.memref_squeeze %dma_start3A_188 : memref<1x128xi32, #tpu.memory_space<vmem>> -> memref<128xi32, #tpu.memory_space<vmem>>
      %dma_start3A_190 = tpu.memref_slice %arg3[%add3A_185] : memref<327680xi32, #tpu.memory_space<hbm>> -> memref<128xi32, #tpu.memory_space<hbm>>
      %dma_start3A_191 = arith.constant 0 : i32
      %dma_start3A_192 = tpu.memref_slice %arg7[%dma_start3A_186, %dma_start3A_191] : memref<2x128xi32, #tpu.memory_space<vmem>> -> memref<1x128xi32, #tpu.memory_space<vmem>>
      %dma_start3A_193 = tpu.memref_squeeze %dma_start3A_192 : memref<1x128xi32, #tpu.memory_space<vmem>> -> memref<128xi32, #tpu.memory_space<vmem>>
      %dma_start3A_194 = tpu.memref_slice %arg3[%add3A_185] : memref<327680xi32, #tpu.memory_space<hbm>> -> memref<128xi32, #tpu.memory_space<hbm>>
      tpu.enqueue_dma source(%dma_start3A_194 : memref<128xi32, #tpu.memory_space<hbm>>) target(%dma_start3A_193 : memref<128xi32, #tpu.memory_space<vmem>>) target_semaphore(%arg12 : memref<!tpu.dma_semaphore, #tpu.memory_space<semaphore_mem>>)
      %mul3A_195 = arith.constant 128 : i32
      %mul3A_196 = arith.muli %mul3A_152, %mul3A_195 : i32
      %add3A_197 = arith.addi %mul3A_24, %mul3A_196 : i32
      %dma_wait3A_198 = arith.constant 0 : i32
      %dma_wait3A_199 = arith.constant 0 : i32
      %dma_wait3A_200 = tpu.memref_slice %arg8[%dma_wait3A_198, %dma_wait3A_199] : memref<2x128xi32, #tpu.memory_space<vmem>> -> memref<1x128xi32, #tpu.memory_space<vmem>>
      %dma_wait3A_201 = tpu.memref_squeeze %dma_wait3A_200 : memref<1x128xi32, #tpu.memory_space<vmem>> -> memref<128xi32, #tpu.memory_space<vmem>>
      %dma_wait3A_202 = tpu.memref_slice %arg4[%add3A_197] : memref<327680xi32, #tpu.memory_space<hbm>> -> memref<128xi32, #tpu.memory_space<hbm>>
      %dma_wait3A_203 = arith.constant 0 : i32
      %dma_wait3A_204 = tpu.memref_slice %arg8[%dma_wait3A_198, %dma_wait3A_203] : memref<2x128xi32, #tpu.memory_space<vmem>> -> memref<1x128xi32, #tpu.memory_space<vmem>>
      %dma_wait3A_205 = tpu.memref_squeeze %dma_wait3A_204 : memref<1x128xi32, #tpu.memory_space<vmem>> -> memref<128xi32, #tpu.memory_space<vmem>>
      %dma_wait3A_206 = tpu.memref_slice %arg4[%add3A_197] : memref<327680xi32, #tpu.memory_space<hbm>> -> memref<128xi32, #tpu.memory_space<hbm>>
      tpu.wait_dma2 semaphore(%arg14 : memref<!tpu.dma_semaphore, #tpu.memory_space<semaphore_mem>>) src(%dma_wait3A_206 : memref<128xi32, #tpu.memory_space<hbm>>) dst(%dma_wait3A_205 : memref<128xi32, #tpu.memory_space<vmem>>)
      %run_scoped3A_207 = arith.constant 0 : i32
      "tpu.region"() ({
        %run_scoped3A_293 = tpu.sem_alloc : memref<!tpu.dma_semaphore, #tpu.memory_space<semaphore_mem>>
        %dma_start3A_294 = arith.constant 0 : i32
        %dma_start3A_295 = tpu.memref_slice %arg8[%run_scoped3A_207, %dma_start3A_294] : memref<2x128xi32, #tpu.memory_space<vmem>> -> memref<1x128xi32, #tpu.memory_space<vmem>>
        %dma_start3A_296 = tpu.memref_squeeze %dma_start3A_295 : memref<1x128xi32, #tpu.memory_space<vmem>> -> memref<128xi32, #tpu.memory_space<vmem>>
        %dma_start3A_297 = arith.constant 0 : i32
        %dma_start3A_298 = arith.constant 0 : i32
        %dma_start3A_299 = tpu.memref_slice %arg11[%dma_start3A_297, %dma_start3A_298] : memref<10240x16xf32, #tpu.memory_space<vmem_shared>> -> memref<10240x16xf32, #tpu.memory_space<vmem_shared>>
        tpu.enqueue_indirect_dma source(%arg9 : memref<128x16xf32, #tpu.memory_space<vmem>>) target(%dma_start3A_299 : memref<10240x16xf32, #tpu.memory_space<vmem_shared>>) offsets(%dma_start3A_296 : memref<128xi32, #tpu.memory_space<vmem>>) semaphore(%run_scoped3A_293 : memref<!tpu.dma_semaphore, #tpu.memory_space<semaphore_mem>>) {add = true}
        %dma_wait3A_300 = arith.constant 0 : i32
        %dma_wait3A_301 = tpu.memref_slice %arg8[%run_scoped3A_207, %dma_wait3A_300] : memref<2x128xi32, #tpu.memory_space<vmem>> -> memref<1x128xi32, #tpu.memory_space<vmem>>
        %dma_wait3A_302 = tpu.memref_squeeze %dma_wait3A_301 : memref<1x128xi32, #tpu.memory_space<vmem>> -> memref<128xi32, #tpu.memory_space<vmem>>
        %dma_wait3A_303 = arith.constant 0 : i32
        %dma_wait3A_304 = arith.constant 0 : i32
        %dma_wait3A_305 = tpu.memref_slice %arg11[%dma_wait3A_303, %dma_wait3A_304] : memref<10240x16xf32, #tpu.memory_space<vmem_shared>> -> memref<10240x16xf32, #tpu.memory_space<vmem_shared>>
        tpu.wait_indirect_dma semaphore(%run_scoped3A_293 : memref<!tpu.dma_semaphore, #tpu.memory_space<semaphore_mem>>) src(%arg9 : memref<128x16xf32, #tpu.memory_space<vmem>>) dst(%dma_wait3A_305 : memref<10240x16xf32, #tpu.memory_space<vmem_shared>>)
        tpu.yield
      }) : () -> ()
      %add3A_208 = arith.constant 2 : i32
      %add3A_209 = arith.addi %mul3A_152, %add3A_208 : i32
      %mul3A_210 = arith.constant 128 : i32
      %mul3A_211 = arith.muli %add3A_209, %mul3A_210 : i32
      %add3A_212 = arith.addi %mul3A_24, %mul3A_211 : i32
      %dma_start3A_213 = arith.constant 0 : i32
      %dma_start3A_214 = arith.constant 0 : i32
      %dma_start3A_215 = tpu.memref_slice %arg8[%dma_start3A_213, %dma_start3A_214] : memref<2x128xi32, #tpu.memory_space<vmem>> -> memref<1x128xi32, #tpu.memory_space<vmem>>
      %dma_start3A_216 = tpu.memref_squeeze %dma_start3A_215 : memref<1x128xi32, #tpu.memory_space<vmem>> -> memref<128xi32, #tpu.memory_space<vmem>>
      %dma_start3A_217 = tpu.memref_slice %arg4[%add3A_212] : memref<327680xi32, #tpu.memory_space<hbm>> -> memref<128xi32, #tpu.memory_space<hbm>>
      %dma_start3A_218 = arith.constant 0 : i32
      %dma_start3A_219 = tpu.memref_slice %arg8[%dma_start3A_213, %dma_start3A_218] : memref<2x128xi32, #tpu.memory_space<vmem>> -> memref<1x128xi32, #tpu.memory_space<vmem>>
      %dma_start3A_220 = tpu.memref_squeeze %dma_start3A_219 : memref<1x128xi32, #tpu.memory_space<vmem>> -> memref<128xi32, #tpu.memory_space<vmem>>
      %dma_start3A_221 = tpu.memref_slice %arg4[%add3A_212] : memref<327680xi32, #tpu.memory_space<hbm>> -> memref<128xi32, #tpu.memory_space<hbm>>
      tpu.enqueue_dma source(%dma_start3A_221 : memref<128xi32, #tpu.memory_space<hbm>>) target(%dma_start3A_220 : memref<128xi32, #tpu.memory_space<vmem>>) target_semaphore(%arg14 : memref<!tpu.dma_semaphore, #tpu.memory_space<semaphore_mem>>)
      %add3A_222 = arith.constant 2 : i32
      %add3A_223 = arith.addi %mul3A_152, %add3A_222 : i32
      %mul3A_224 = arith.constant 128 : i32
      %mul3A_225 = arith.muli %add3A_223, %mul3A_224 : i32
      %add3A_226 = arith.addi %mul3A_24, %mul3A_225 : i32
      %dma_wait3A_227 = arith.constant 0 : i32
      %dma_wait3A_228 = arith.constant 0 : i32
      %dma_wait3A_229 = tpu.memref_slice %arg7[%dma_wait3A_227, %dma_wait3A_228] : memref<2x128xi32, #tpu.memory_space<vmem>> -> memref<1x128xi32, #tpu.memory_space<vmem>>
      %dma_wait3A_230 = tpu.memref_squeeze %dma_wait3A_229 : memref<1x128xi32, #tpu.memory_space<vmem>> -> memref<128xi32, #tpu.memory_space<vmem>>
      %dma_wait3A_231 = tpu.memref_slice %arg3[%add3A_226] : memref<327680xi32, #tpu.memory_space<hbm>> -> memref<128xi32, #tpu.memory_space<hbm>>
      %dma_wait3A_232 = arith.constant 0 : i32
      %dma_wait3A_233 = tpu.memref_slice %arg7[%dma_wait3A_227, %dma_wait3A_232] : memref<2x128xi32, #tpu.memory_space<vmem>> -> memref<1x128xi32, #tpu.memory_space<vmem>>
      %dma_wait3A_234 = tpu.memref_squeeze %dma_wait3A_233 : memref<1x128xi32, #tpu.memory_space<vmem>> -> memref<128xi32, #tpu.memory_space<vmem>>
      %dma_wait3A_235 = tpu.memref_slice %arg3[%add3A_226] : memref<327680xi32, #tpu.memory_space<hbm>> -> memref<128xi32, #tpu.memory_space<hbm>>
      tpu.wait_dma2 semaphore(%arg12 : memref<!tpu.dma_semaphore, #tpu.memory_space<semaphore_mem>>) src(%dma_wait3A_235 : memref<128xi32, #tpu.memory_space<hbm>>) dst(%dma_wait3A_234 : memref<128xi32, #tpu.memory_space<vmem>>)
      %dma_start3A_236 = arith.constant 0 : i32
      %dma_start3A_237 = arith.constant 0 : i32
      %dma_start3A_238 = tpu.memref_slice %arg7[%dma_start3A_236, %dma_start3A_237] : memref<2x128xi32, #tpu.memory_space<vmem>> -> memref<1x128xi32, #tpu.memory_space<vmem>>
      %dma_start3A_239 = tpu.memref_squeeze %dma_start3A_238 : memref<1x128xi32, #tpu.memory_space<vmem>> -> memref<128xi32, #tpu.memory_space<vmem>>
      %dma_start3A_240 = arith.constant 0 : i32
      %dma_start3A_241 = arith.constant 0 : i32
      %dma_start3A_242 = tpu.memref_slice %arg2[%dma_start3A_240, %dma_start3A_241] : memref<10000x16xf32, #tpu.memory_space<hbm>> -> memref<10000x16xf32, #tpu.memory_space<hbm>>
      tpu.enqueue_indirect_dma source(%dma_start3A_242 : memref<10000x16xf32, #tpu.memory_space<hbm>>) target(%arg9 : memref<128x16xf32, #tpu.memory_space<vmem>>) offsets(%dma_start3A_239 : memref<128xi32, #tpu.memory_space<vmem>>) semaphore(%arg16 : memref<!tpu.dma_semaphore, #tpu.memory_space<semaphore_mem>>)
      %dma_wait3A_243 = arith.constant 1 : i32
      %dma_wait3A_244 = arith.constant 0 : i32
      %dma_wait3A_245 = tpu.memref_slice %arg7[%dma_wait3A_243, %dma_wait3A_244] : memref<2x128xi32, #tpu.memory_space<vmem>> -> memref<1x128xi32, #tpu.memory_space<vmem>>
      %dma_wait3A_246 = tpu.memref_squeeze %dma_wait3A_245 : memref<1x128xi32, #tpu.memory_space<vmem>> -> memref<128xi32, #tpu.memory_space<vmem>>
      %dma_wait3A_247 = arith.constant 0 : i32
      %dma_wait3A_248 = arith.constant 0 : i32
      %dma_wait3A_249 = tpu.memref_slice %arg2[%dma_wait3A_247, %dma_wait3A_248] : memref<10000x16xf32, #tpu.memory_space<hbm>> -> memref<10000x16xf32, #tpu.memory_space<hbm>>
      tpu.wait_indirect_dma semaphore(%arg17 : memref<!tpu.dma_semaphore, #tpu.memory_space<semaphore_mem>>) src(%dma_wait3A_249 : memref<10000x16xf32, #tpu.memory_space<hbm>>) dst(%arg10 : memref<128x16xf32, #tpu.memory_space<vmem>>)
      %add3A_250 = arith.constant 3 : i32
      %add3A_251 = arith.addi %mul3A_152, %add3A_250 : i32
      %mul3A_252 = arith.constant 128 : i32
      %mul3A_253 = arith.muli %add3A_251, %mul3A_252 : i32
      %add3A_254 = arith.addi %mul3A_24, %mul3A_253 : i32
      %dma_start3A_255 = arith.constant 1 : i32
      %dma_start3A_256 = arith.constant 0 : i32
      %dma_start3A_257 = tpu.memref_slice %arg7[%dma_start3A_255, %dma_start3A_256] : memref<2x128xi32, #tpu.memory_space<vmem>> -> memref<1x128xi32, #tpu.memory_space<vmem>>
      %dma_start3A_258 = tpu.memref_squeeze %dma_start3A_257 : memref<1x128xi32, #tpu.memory_space<vmem>> -> memref<128xi32, #tpu.memory_space<vmem>>
      %dma_start3A_259 = tpu.memref_slice %arg3[%add3A_254] : memref<327680xi32, #tpu.memory_space<hbm>> -> memref<128xi32, #tpu.memory_space<hbm>>
      %dma_start3A_260 = arith.constant 0 : i32
      %dma_start3A_261 = tpu.memref_slice %arg7[%dma_start3A_255, %dma_start3A_260] : memref<2x128xi32, #tpu.memory_space<vmem>> -> memref<1x128xi32, #tpu.memory_space<vmem>>
      %dma_start3A_262 = tpu.memref_squeeze %dma_start3A_261 : memref<1x128xi32, #tpu.memory_space<vmem>> -> memref<128xi32, #tpu.memory_space<vmem>>
      %dma_start3A_263 = tpu.memref_slice %arg3[%add3A_254] : memref<327680xi32, #tpu.memory_space<hbm>> -> memref<128xi32, #tpu.memory_space<hbm>>
      tpu.enqueue_dma source(%dma_start3A_263 : memref<128xi32, #tpu.memory_space<hbm>>) target(%dma_start3A_262 : memref<128xi32, #tpu.memory_space<vmem>>) target_semaphore(%arg13 : memref<!tpu.dma_semaphore, #tpu.memory_space<semaphore_mem>>)
      %add3A_264 = arith.constant 1 : i32
      %add3A_265 = arith.addi %mul3A_152, %add3A_264 : i32
      %mul3A_266 = arith.constant 128 : i32
      %mul3A_267 = arith.muli %add3A_265, %mul3A_266 : i32
      %add3A_268 = arith.addi %mul3A_24, %mul3A_267 : i32
      %dma_wait3A_269 = arith.constant 1 : i32
      %dma_wait3A_270 = arith.constant 0 : i32
      %dma_wait3A_271 = tpu.memref_slice %arg8[%dma_wait3A_269, %dma_wait3A_270] : memref<2x128xi32, #tpu.memory_space<vmem>> -> memref<1x128xi32, #tpu.memory_space<vmem>>
      %dma_wait3A_272 = tpu.memref_squeeze %dma_wait3A_271 : memref<1x128xi32, #tpu.memory_space<vmem>> -> memref<128xi32, #tpu.memory_space<vmem>>
      %dma_wait3A_273 = tpu.memref_slice %arg4[%add3A_268] : memref<327680xi32, #tpu.memory_space<hbm>> -> memref<128xi32, #tpu.memory_space<hbm>>
      %dma_wait3A_274 = arith.constant 0 : i32
      %dma_wait3A_275 = tpu.memref_slice %arg8[%dma_wait3A_269, %dma_wait3A_274] : memref<2x128xi32, #tpu.memory_space<vmem>> -> memref<1x128xi32, #tpu.memory_space<vmem>>
      %dma_wait3A_276 = tpu.memref_squeeze %dma_wait3A_275 : memref<1x128xi32, #tpu.memory_space<vmem>> -> memref<128xi32, #tpu.memory_space<vmem>>
      %dma_wait3A_277 = tpu.memref_slice %arg4[%add3A_268] : memref<327680xi32, #tpu.memory_space<hbm>> -> memref<128xi32, #tpu.memory_space<hbm>>
      tpu.wait_dma2 semaphore(%arg15 : memref<!tpu.dma_semaphore, #tpu.memory_space<semaphore_mem>>) src(%dma_wait3A_277 : memref<128xi32, #tpu.memory_space<hbm>>) dst(%dma_wait3A_276 : memref<128xi32, #tpu.memory_space<vmem>>)
      %run_scoped3A_278 = arith.constant 1 : i32
      "tpu.region"() ({
        %run_scoped3A_293 = tpu.sem_alloc : memref<!tpu.dma_semaphore, #tpu.memory_space<semaphore_mem>>
        %dma_start3A_294 = arith.constant 0 : i32
        %dma_start3A_295 = tpu.memref_slice %arg8[%run_scoped3A_278, %dma_start3A_294] : memref<2x128xi32, #tpu.memory_space<vmem>> -> memref<1x128xi32, #tpu.memory_space<vmem>>
        %dma_start3A_296 = tpu.memref_squeeze %dma_start3A_295 : memref<1x128xi32, #tpu.memory_space<vmem>> -> memref<128xi32, #tpu.memory_space<vmem>>
        %dma_start3A_297 = arith.constant 0 : i32
        %dma_start3A_298 = arith.constant 0 : i32
        %dma_start3A_299 = tpu.memref_slice %arg11[%dma_start3A_297, %dma_start3A_298] : memref<10240x16xf32, #tpu.memory_space<vmem_shared>> -> memref<10240x16xf32, #tpu.memory_space<vmem_shared>>
        tpu.enqueue_indirect_dma source(%arg10 : memref<128x16xf32, #tpu.memory_space<vmem>>) target(%dma_start3A_299 : memref<10240x16xf32, #tpu.memory_space<vmem_shared>>) offsets(%dma_start3A_296 : memref<128xi32, #tpu.memory_space<vmem>>) semaphore(%run_scoped3A_293 : memref<!tpu.dma_semaphore, #tpu.memory_space<semaphore_mem>>) {add = true}
        %dma_wait3A_300 = arith.constant 0 : i32
        %dma_wait3A_301 = tpu.memref_slice %arg8[%run_scoped3A_278, %dma_wait3A_300] : memref<2x128xi32, #tpu.memory_space<vmem>> -> memref<1x128xi32, #tpu.memory_space<vmem>>
        %dma_wait3A_302 = tpu.memref_squeeze %dma_wait3A_301 : memref<1x128xi32, #tpu.memory_space<vmem>> -> memref<128xi32, #tpu.memory_space<vmem>>
        %dma_wait3A_303 = arith.constant 0 : i32
        %dma_wait3A_304 = arith.constant 0 : i32
        %dma_wait3A_305 = tpu.memref_slice %arg11[%dma_wait3A_303, %dma_wait3A_304] : memref<10240x16xf32, #tpu.memory_space<vmem_shared>> -> memref<10240x16xf32, #tpu.memory_space<vmem_shared>>
        tpu.wait_indirect_dma semaphore(%run_scoped3A_293 : memref<!tpu.dma_semaphore, #tpu.memory_space<semaphore_mem>>) src(%arg10 : memref<128x16xf32, #tpu.memory_space<vmem>>) dst(%dma_wait3A_305 : memref<10240x16xf32, #tpu.memory_space<vmem_shared>>)
        tpu.yield
      }) : () -> ()
      %add3A_279 = arith.constant 3 : i32
      %add3A_280 = arith.addi %mul3A_152, %add3A_279 : i32
      %mul3A_281 = arith.constant 128 : i32
      %mul3A_282 = arith.muli %add3A_280, %mul3A_281 : i32
      %add3A_283 = arith.addi %mul3A_24, %mul3A_282 : i32
      %dma_start3A_284 = arith.constant 1 : i32
      %dma_start3A_285 = arith.constant 0 : i32
      %dma_start3A_286 = tpu.memref_slice %arg8[%dma_start3A_284, %dma_start3A_285] : memref<2x128xi32, #tpu.memory_space<vmem>> -> memref<1x128xi32, #tpu.memory_space<vmem>>
      %dma_start3A_287 = tpu.memref_squeeze %dma_start3A_286 : memref<1x128xi32, #tpu.memory_space<vmem>> -> memref<128xi32, #tpu.memory_space<vmem>>
      %dma_start3A_288 = tpu.memref_slice %arg4[%add3A_283] : memref<327680xi32, #tpu.memory_space<hbm>> -> memref<128xi32, #tpu.memory_space<hbm>>
      %dma_start3A_289 = arith.constant 0 : i32
      %dma_start3A_290 = tpu.memref_slice %arg8[%dma_start3A_284, %dma_start3A_289] : memref<2x128xi32, #tpu.memory_space<vmem>> -> memref<1x128xi32, #tpu.memory_space<vmem>>
      %dma_start3A_291 = tpu.memref_squeeze %dma_start3A_290 : memref<1x128xi32, #tpu.memory_space<vmem>> -> memref<128xi32, #tpu.memory_space<vmem>>
      %dma_start3A_292 = tpu.memref_slice %arg4[%add3A_283] : memref<327680xi32, #tpu.memory_space<hbm>> -> memref<128xi32, #tpu.memory_space<hbm>>
      tpu.enqueue_dma source(%dma_start3A_292 : memref<128xi32, #tpu.memory_space<hbm>>) target(%dma_start3A_291 : memref<128xi32, #tpu.memory_space<vmem>>) target_semaphore(%arg15 : memref<!tpu.dma_semaphore, #tpu.memory_space<semaphore_mem>>)
    }
    %scan3A_89 = arith.constant 39 : i32
    %add3A_90 = arith.constant 10112 : i32
    %add3A_91 = arith.addi %mul3A_24, %add3A_90 : i32
    %dma_wait3A_92 = arith.constant 1 : i32
    %dma_wait3A_93 = arith.constant 0 : i32
    %dma_wait3A_94 = tpu.memref_slice %arg7[%dma_wait3A_92, %dma_wait3A_93] : memref<2x128xi32, #tpu.memory_space<vmem>> -> memref<1x128xi32, #tpu.memory_space<vmem>>
    %dma_wait3A_95 = tpu.memref_squeeze %dma_wait3A_94 : memref<1x128xi32, #tpu.memory_space<vmem>> -> memref<128xi32, #tpu.memory_space<vmem>>
    %dma_wait3A_96 = tpu.memref_slice %arg3[%add3A_91] : memref<327680xi32, #tpu.memory_space<hbm>> -> memref<128xi32, #tpu.memory_space<hbm>>
    %dma_wait3A_97 = arith.constant 0 : i32
    %dma_wait3A_98 = tpu.memref_slice %arg7[%dma_wait3A_92, %dma_wait3A_97] : memref<2x128xi32, #tpu.memory_space<vmem>> -> memref<1x128xi32, #tpu.memory_space<vmem>>
    %dma_wait3A_99 = tpu.memref_squeeze %dma_wait3A_98 : memref<1x128xi32, #tpu.memory_space<vmem>> -> memref<128xi32, #tpu.memory_space<vmem>>
    %dma_wait3A_100 = tpu.memref_slice %arg3[%add3A_91] : memref<327680xi32, #tpu.memory_space<hbm>> -> memref<128xi32, #tpu.memory_space<hbm>>
    tpu.wait_dma2 semaphore(%arg13 : memref<!tpu.dma_semaphore, #tpu.memory_space<semaphore_mem>>) src(%dma_wait3A_100 : memref<128xi32, #tpu.memory_space<hbm>>) dst(%dma_wait3A_99 : memref<128xi32, #tpu.memory_space<vmem>>)
    %dma_start3A_101 = arith.constant 1 : i32
    %dma_start3A_102 = arith.constant 0 : i32
    %dma_start3A_103 = tpu.memref_slice %arg7[%dma_start3A_101, %dma_start3A_102] : memref<2x128xi32, #tpu.memory_space<vmem>> -> memref<1x128xi32, #tpu.memory_space<vmem>>
    %dma_start3A_104 = tpu.memref_squeeze %dma_start3A_103 : memref<1x128xi32, #tpu.memory_space<vmem>> -> memref<128xi32, #tpu.memory_space<vmem>>
    %dma_start3A_105 = arith.constant 0 : i32
    %dma_start3A_106 = arith.constant 0 : i32
    %dma_start3A_107 = tpu.memref_slice %arg2[%dma_start3A_105, %dma_start3A_106] : memref<10000x16xf32, #tpu.memory_space<hbm>> -> memref<10000x16xf32, #tpu.memory_space<hbm>>
    tpu.enqueue_indirect_dma source(%dma_start3A_107 : memref<10000x16xf32, #tpu.memory_space<hbm>>) target(%arg10 : memref<128x16xf32, #tpu.memory_space<vmem>>) offsets(%dma_start3A_104 : memref<128xi32, #tpu.memory_space<vmem>>) semaphore(%arg17 : memref<!tpu.dma_semaphore, #tpu.memory_space<semaphore_mem>>)
    %dma_wait3A_108 = arith.constant 0 : i32
    %dma_wait3A_109 = arith.constant 0 : i32
    %dma_wait3A_110 = tpu.memref_slice %arg7[%dma_wait3A_108, %dma_wait3A_109] : memref<2x128xi32, #tpu.memory_space<vmem>> -> memref<1x128xi32, #tpu.memory_space<vmem>>
    %dma_wait3A_111 = tpu.memref_squeeze %dma_wait3A_110 : memref<1x128xi32, #tpu.memory_space<vmem>> -> memref<128xi32, #tpu.memory_space<vmem>>
    %dma_wait3A_112 = arith.constant 0 : i32
    %dma_wait3A_113 = arith.constant 0 : i32
    %dma_wait3A_114 = tpu.memref_slice %arg2[%dma_wait3A_112, %dma_wait3A_113] : memref<10000x16xf32, #tpu.memory_space<hbm>> -> memref<10000x16xf32, #tpu.memory_space<hbm>>
    tpu.wait_indirect_dma semaphore(%arg16 : memref<!tpu.dma_semaphore, #tpu.memory_space<semaphore_mem>>) src(%dma_wait3A_114 : memref<10000x16xf32, #tpu.memory_space<hbm>>) dst(%arg9 : memref<128x16xf32, #tpu.memory_space<vmem>>)
    %add3A_115 = arith.constant 9984 : i32
    %add3A_116 = arith.addi %mul3A_24, %add3A_115 : i32
    %dma_wait3A_117 = arith.constant 0 : i32
    %dma_wait3A_118 = arith.constant 0 : i32
    %dma_wait3A_119 = tpu.memref_slice %arg8[%dma_wait3A_117, %dma_wait3A_118] : memref<2x128xi32, #tpu.memory_space<vmem>> -> memref<1x128xi32, #tpu.memory_space<vmem>>
    %dma_wait3A_120 = tpu.memref_squeeze %dma_wait3A_119 : memref<1x128xi32, #tpu.memory_space<vmem>> -> memref<128xi32, #tpu.memory_space<vmem>>
    %dma_wait3A_121 = tpu.memref_slice %arg4[%add3A_116] : memref<327680xi32, #tpu.memory_space<hbm>> -> memref<128xi32, #tpu.memory_space<hbm>>
    %dma_wait3A_122 = arith.constant 0 : i32
    %dma_wait3A_123 = tpu.memref_slice %arg8[%dma_wait3A_117, %dma_wait3A_122] : memref<2x128xi32, #tpu.memory_space<vmem>> -> memref<1x128xi32, #tpu.memory_space<vmem>>
    %dma_wait3A_124 = tpu.memref_squeeze %dma_wait3A_123 : memref<1x128xi32, #tpu.memory_space<vmem>> -> memref<128xi32, #tpu.memory_space<vmem>>
    %dma_wait3A_125 = tpu.memref_slice %arg4[%add3A_116] : memref<327680xi32, #tpu.memory_space<hbm>> -> memref<128xi32, #tpu.memory_space<hbm>>
    tpu.wait_dma2 semaphore(%arg14 : memref<!tpu.dma_semaphore, #tpu.memory_space<semaphore_mem>>) src(%dma_wait3A_125 : memref<128xi32, #tpu.memory_space<hbm>>) dst(%dma_wait3A_124 : memref<128xi32, #tpu.memory_space<vmem>>)
    %run_scoped3A = arith.constant 0 : i32
    "tpu.region"() ({
      %run_scoped3A_150 = tpu.sem_alloc : memref<!tpu.dma_semaphore, #tpu.memory_space<semaphore_mem>>
      %dma_start3A_151 = arith.constant 0 : i32
      %dma_start3A_152 = tpu.memref_slice %arg8[%run_scoped3A, %dma_start3A_151] : memref<2x128xi32, #tpu.memory_space<vmem>> -> memref<1x128xi32, #tpu.memory_space<vmem>>
      %dma_start3A_153 = tpu.memref_squeeze %dma_start3A_152 : memref<1x128xi32, #tpu.memory_space<vmem>> -> memref<128xi32, #tpu.memory_space<vmem>>
      %dma_start3A_154 = arith.constant 0 : i32
      %dma_start3A_155 = arith.constant 0 : i32
      %dma_start3A_156 = tpu.memref_slice %arg11[%dma_start3A_154, %dma_start3A_155] : memref<10240x16xf32, #tpu.memory_space<vmem_shared>> -> memref<10240x16xf32, #tpu.memory_space<vmem_shared>>
      tpu.enqueue_indirect_dma source(%arg9 : memref<128x16xf32, #tpu.memory_space<vmem>>) target(%dma_start3A_156 : memref<10240x16xf32, #tpu.memory_space<vmem_shared>>) offsets(%dma_start3A_153 : memref<128xi32, #tpu.memory_space<vmem>>) semaphore(%run_scoped3A_150 : memref<!tpu.dma_semaphore, #tpu.memory_space<semaphore_mem>>) {add = true}
      %dma_wait3A_157 = arith.constant 0 : i32
      %dma_wait3A_158 = tpu.memref_slice %arg8[%run_scoped3A, %dma_wait3A_157] : memref<2x128xi32, #tpu.memory_space<vmem>> -> memref<1x128xi32, #tpu.memory_space<vmem>>
      %dma_wait3A_159 = tpu.memref_squeeze %dma_wait3A_158 : memref<1x128xi32, #tpu.memory_space<vmem>> -> memref<128xi32, #tpu.memory_space<vmem>>
      %dma_wait3A_160 = arith.constant 0 : i32
      %dma_wait3A_161 = arith.constant 0 : i32
      %dma_wait3A_162 = tpu.memref_slice %arg11[%dma_wait3A_160, %dma_wait3A_161] : memref<10240x16xf32, #tpu.memory_space<vmem_shared>> -> memref<10240x16xf32, #tpu.memory_space<vmem_shared>>
      tpu.wait_indirect_dma semaphore(%run_scoped3A_150 : memref<!tpu.dma_semaphore, #tpu.memory_space<semaphore_mem>>) src(%arg9 : memref<128x16xf32, #tpu.memory_space<vmem>>) dst(%dma_wait3A_162 : memref<10240x16xf32, #tpu.memory_space<vmem_shared>>)
      tpu.yield
    }) : () -> ()
    %dma_wait3A_126 = arith.constant 1 : i32
    %dma_wait3A_127 = arith.constant 0 : i32
    %dma_wait3A_128 = tpu.memref_slice %arg7[%dma_wait3A_126, %dma_wait3A_127] : memref<2x128xi32, #tpu.memory_space<vmem>> -> memref<1x128xi32, #tpu.memory_space<vmem>>
    %dma_wait3A_129 = tpu.memref_squeeze %dma_wait3A_128 : memref<1x128xi32, #tpu.memory_space<vmem>> -> memref<128xi32, #tpu.memory_space<vmem>>
    %dma_wait3A_130 = arith.constant 0 : i32
    %dma_wait3A_131 = arith.constant 0 : i32
    %dma_wait3A_132 = tpu.memref_slice %arg2[%dma_wait3A_130, %dma_wait3A_131] : memref<10000x16xf32, #tpu.memory_space<hbm>> -> memref<10000x16xf32, #tpu.memory_space<hbm>>
    tpu.wait_indirect_dma semaphore(%arg17 : memref<!tpu.dma_semaphore, #tpu.memory_space<semaphore_mem>>) src(%dma_wait3A_132 : memref<10000x16xf32, #tpu.memory_space<hbm>>) dst(%arg10 : memref<128x16xf32, #tpu.memory_space<vmem>>)
    %add3A_133 = arith.constant 10112 : i32
    %add3A_134 = arith.addi %mul3A_24, %add3A_133 : i32
    %dma_wait3A_135 = arith.constant 1 : i32
    %dma_wait3A_136 = arith.constant 0 : i32
    %dma_wait3A_137 = tpu.memref_slice %arg8[%dma_wait3A_135, %dma_wait3A_136] : memref<2x128xi32, #tpu.memory_space<vmem>> -> memref<1x128xi32, #tpu.memory_space<vmem>>
    %dma_wait3A_138 = tpu.memref_squeeze %dma_wait3A_137 : memref<1x128xi32, #tpu.memory_space<vmem>> -> memref<128xi32, #tpu.memory_space<vmem>>
    %dma_wait3A_139 = tpu.memref_slice %arg4[%add3A_134] : memref<327680xi32, #tpu.memory_space<hbm>> -> memref<128xi32, #tpu.memory_space<hbm>>
    %dma_wait3A_140 = arith.constant 0 : i32
    %dma_wait3A_141 = tpu.memref_slice %arg8[%dma_wait3A_135, %dma_wait3A_140] : memref<2x128xi32, #tpu.memory_space<vmem>> -> memref<1x128xi32, #tpu.memory_space<vmem>>
    %dma_wait3A_142 = tpu.memref_squeeze %dma_wait3A_141 : memref<1x128xi32, #tpu.memory_space<vmem>> -> memref<128xi32, #tpu.memory_space<vmem>>
    %dma_wait3A_143 = tpu.memref_slice %arg4[%add3A_134] : memref<327680xi32, #tpu.memory_space<hbm>> -> memref<128xi32, #tpu.memory_space<hbm>>
    tpu.wait_dma2 semaphore(%arg15 : memref<!tpu.dma_semaphore, #tpu.memory_space<semaphore_mem>>) src(%dma_wait3A_143 : memref<128xi32, #tpu.memory_space<hbm>>) dst(%dma_wait3A_142 : memref<128xi32, #tpu.memory_space<vmem>>)
    %run_scoped3A_144 = arith.constant 1 : i32
    "tpu.region"() ({
      %run_scoped3A_150 = tpu.sem_alloc : memref<!tpu.dma_semaphore, #tpu.memory_space<semaphore_mem>>
      %dma_start3A_151 = arith.constant 0 : i32
      %dma_start3A_152 = tpu.memref_slice %arg8[%run_scoped3A_144, %dma_start3A_151] : memref<2x128xi32, #tpu.memory_space<vmem>> -> memref<1x128xi32, #tpu.memory_space<vmem>>
      %dma_start3A_153 = tpu.memref_squeeze %dma_start3A_152 : memref<1x128xi32, #tpu.memory_space<vmem>> -> memref<128xi32, #tpu.memory_space<vmem>>
      %dma_start3A_154 = arith.constant 0 : i32
      %dma_start3A_155 = arith.constant 0 : i32
      %dma_start3A_156 = tpu.memref_slice %arg11[%dma_start3A_154, %dma_start3A_155] : memref<10240x16xf32, #tpu.memory_space<vmem_shared>> -> memref<10240x16xf32, #tpu.memory_space<vmem_shared>>
      tpu.enqueue_indirect_dma source(%arg10 : memref<128x16xf32, #tpu.memory_space<vmem>>) target(%dma_start3A_156 : memref<10240x16xf32, #tpu.memory_space<vmem_shared>>) offsets(%dma_start3A_153 : memref<128xi32, #tpu.memory_space<vmem>>) semaphore(%run_scoped3A_150 : memref<!tpu.dma_semaphore, #tpu.memory_space<semaphore_mem>>) {add = true}
      %dma_wait3A_157 = arith.constant 0 : i32
      %dma_wait3A_158 = tpu.memref_slice %arg8[%run_scoped3A_144, %dma_wait3A_157] : memref<2x128xi32, #tpu.memory_space<vmem>> -> memref<1x128xi32, #tpu.memory_space<vmem>>
      %dma_wait3A_159 = tpu.memref_squeeze %dma_wait3A_158 : memref<1x128xi32, #tpu.memory_space<vmem>> -> memref<128xi32, #tpu.memory_space<vmem>>
      %dma_wait3A_160 = arith.constant 0 : i32
      %dma_wait3A_161 = arith.constant 0 : i32
      %dma_wait3A_162 = tpu.memref_slice %arg11[%dma_wait3A_160, %dma_wait3A_161] : memref<10240x16xf32, #tpu.memory_space<vmem_shared>> -> memref<10240x16xf32, #tpu.memory_space<vmem_shared>>
      tpu.wait_indirect_dma semaphore(%run_scoped3A_150 : memref<!tpu.dma_semaphore, #tpu.memory_space<semaphore_mem>>) src(%arg10 : memref<128x16xf32, #tpu.memory_space<vmem>>) dst(%dma_wait3A_162 : memref<10240x16xf32, #tpu.memory_space<vmem_shared>>)
      tpu.yield
    }) : () -> ()
    %barrier3A_145 = arith.constant 0 : index
    tpu.barrier barrier_id(%barrier3A_145)
    %mul3A_146 = arith.constant 640 : i32
    %mul3A_147 = arith.muli %arg1, %mul3A_146 : i32
    %mul3A_148 = arith.constant 640 : i32
    %mul3A_149 = arith.muli %arg1, %mul3A_148 : i32
    "tpu.region"() ({
      %run_scoped3A_150 = tpu.sem_alloc : memref<!tpu.dma_semaphore, #tpu.memory_space<semaphore_mem>>
      %dma_start3A_151 = arith.constant 0 : i32
      %dma_start3A_152 = tpu.memref_slice %arg6[%arg0, %mul3A_149, %dma_start3A_151] : memref<2x10240x16xf32, #tpu.memory_space<hbm>> -> memref<1x640x16xf32, #tpu.memory_space<hbm>>
      %dma_start3A_153 = tpu.memref_squeeze %dma_start3A_152 : memref<1x640x16xf32, #tpu.memory_space<hbm>> -> memref<640x16xf32, #tpu.memory_space<hbm>>
      %dma_start3A_154 = arith.constant 0 : i32
      %dma_start3A_155 = tpu.memref_slice %arg11[%mul3A_147, %dma_start3A_154] : memref<10240x16xf32, #tpu.memory_space<vmem_shared>> -> memref<640x16xf32, #tpu.memory_space<vmem_shared>>
      tpu.enqueue_dma source(%dma_start3A_155 : memref<640x16xf32, #tpu.memory_space<vmem_shared>>) target(%dma_start3A_153 : memref<640x16xf32, #tpu.memory_space<hbm>>) target_semaphore(%run_scoped3A_150 : memref<!tpu.dma_semaphore, #tpu.memory_space<semaphore_mem>>)
      %dma_wait3A_156 = arith.constant 0 : i32
      %dma_wait3A_157 = tpu.memref_slice %arg6[%arg0, %mul3A_149, %dma_wait3A_156] : memref<2x10240x16xf32, #tpu.memory_space<hbm>> -> memref<1x640x16xf32, #tpu.memory_space<hbm>>
      %dma_wait3A_158 = tpu.memref_squeeze %dma_wait3A_157 : memref<1x640x16xf32, #tpu.memory_space<hbm>> -> memref<640x16xf32, #tpu.memory_space<hbm>>
      %dma_wait3A_159 = arith.constant 0 : i32
      %dma_wait3A_160 = tpu.memref_slice %arg11[%mul3A_147, %dma_wait3A_159] : memref<10240x16xf32, #tpu.memory_space<vmem_shared>> -> memref<640x16xf32, #tpu.memory_space<vmem_shared>>
      tpu.wait_dma2 semaphore(%run_scoped3A_150 : memref<!tpu.dma_semaphore, #tpu.memory_space<semaphore_mem>>) src(%dma_wait3A_160 : memref<640x16xf32, #tpu.memory_space<vmem_shared>>) dst(%dma_wait3A_158 : memref<640x16xf32, #tpu.memory_space<hbm>>)
      tpu.yield
    }) : () -> ()
    return
  }
}

#map = affine_map<(d0, d1) -> (0, 0)>
#map1 = affine_map<(d0, d1) -> (0)>
#map2 = affine_map<(d0, d1) -> (0, 0, 0)>
module attributes {stable_mosaic.version = 14 : i64} {
  func.func @k(%arg0: i32, %arg1: i32, %arg2: memref<10000x128xf32, #tpu.memory_space<hbm>>, %arg3: memref<327680xi32, #tpu.memory_space<hbm>>, %arg4: memref<327680xi32, #tpu.memory_space<hbm>>, %arg5: memref<128x128xf32, #tpu.memory_space<hbm>>, %arg6: memref<2x10240x128xf32, #tpu.memory_space<hbm>>, %arg7: memref<2x128xi32, #tpu.memory_space<vmem>>, %arg8: memref<2x128xi32, #tpu.memory_space<vmem>>, %arg9: memref<128x128xf32, #tpu.memory_space<vmem>>, %arg10: memref<128x128xf32, #tpu.memory_space<vmem>>, %arg11: memref<10240x128xf32, #tpu.memory_space<vmem_shared>>, %arg12: memref<!tpu.dma_semaphore, #tpu.memory_space<semaphore_mem>>, %arg13: memref<!tpu.dma_semaphore, #tpu.memory_space<semaphore_mem>>, %arg14: memref<!tpu.dma_semaphore, #tpu.memory_space<semaphore_mem>>, %arg15: memref<!tpu.dma_semaphore, #tpu.memory_space<semaphore_mem>>, %arg16: memref<!tpu.dma_semaphore, #tpu.memory_space<semaphore_mem>>, %arg17: memref<!tpu.dma_semaphore, #tpu.memory_space<semaphore_mem>>) attributes {dimension_semantics = [#tpu.dimension_semantics<core_parallel>, #tpu.dimension_semantics<subcore_parallel>], iteration_bounds = array<i64: 2, 16>, scalar_prefetch = 0 : i64, scratch_operands = 11 : i64, tpu.core_type = #tpu.core_type<sc_vector_subcore>, window_params = [{transform_indices = #map}, {transform_indices = #map1}, {transform_indices = #map1}, {transform_indices = #map}, {transform_indices = #map2}]} {
    %mul3A = arith.constant 2 : i32
    %mul3A_0 = arith.muli %arg1, %mul3A : i32
    %add3A = arith.addi %mul3A_0, %arg0 : i32
    %mul3A_1 = arith.constant 640 : i32
    %mul3A_2 = arith.muli %arg1, %mul3A_1 : i32
    %add3A_3 = arith.constant 0 : i32
    %add3A_4 = arith.addi %mul3A_2, %add3A_3 : i32
    "tpu.region"() ({
      %run_scoped3A_150 = tpu.sem_alloc : memref<!tpu.dma_semaphore, #tpu.memory_space<semaphore_mem>>
      %dma_start3A_151 = arith.constant 0 : i32
      %dma_start3A_152 = tpu.memref_slice %arg11[%add3A_4, %dma_start3A_151] : memref<10240x128xf32, #tpu.memory_space<vmem_shared>> -> memref<128x128xf32, #tpu.memory_space<vmem_shared>>
      tpu.enqueue_dma source(%arg5 : memref<128x128xf32, #tpu.memory_space<hbm>>) target(%dma_start3A_152 : memref<128x128xf32, #tpu.memory_space<vmem_shared>>) target_semaphore(%run_scoped3A_150 : memref<!tpu.dma_semaphore, #tpu.memory_space<semaphore_mem>>)
      %dma_wait3A_153 = arith.constant 0 : i32
      %dma_wait3A_154 = tpu.memref_slice %arg11[%add3A_4, %dma_wait3A_153] : memref<10240x128xf32, #tpu.memory_space<vmem_shared>> -> memref<128x128xf32, #tpu.memory_space<vmem_shared>>
      tpu.wait_dma2 semaphore(%run_scoped3A_150 : memref<!tpu.dma_semaphore, #tpu.memory_space<semaphore_mem>>) src(%arg5 : memref<128x128xf32, #tpu.memory_space<hbm>>) dst(%dma_wait3A_154 : memref<128x128xf32, #tpu.memory_space<vmem_shared>>)
      tpu.yield
    }) : () -> ()
    %mul3A_5 = arith.constant 640 : i32
    %mul3A_6 = arith.muli %arg1, %mul3A_5 : i32
    %add3A_7 = arith.constant 128 : i32
    %add3A_8 = arith.addi %mul3A_6, %add3A_7 : i32
    "tpu.region"() ({
      %run_scoped3A_150 = tpu.sem_alloc : memref<!tpu.dma_semaphore, #tpu.memory_space<semaphore_mem>>
      %dma_start3A_151 = arith.constant 0 : i32
      %dma_start3A_152 = tpu.memref_slice %arg11[%add3A_8, %dma_start3A_151] : memref<10240x128xf32, #tpu.memory_space<vmem_shared>> -> memref<128x128xf32, #tpu.memory_space<vmem_shared>>
      tpu.enqueue_dma source(%arg5 : memref<128x128xf32, #tpu.memory_space<hbm>>) target(%dma_start3A_152 : memref<128x128xf32, #tpu.memory_space<vmem_shared>>) target_semaphore(%run_scoped3A_150 : memref<!tpu.dma_semaphore, #tpu.memory_space<semaphore_mem>>)
      %dma_wait3A_153 = arith.constant 0 : i32
      %dma_wait3A_154 = tpu.memref_slice %arg11[%add3A_8, %dma_wait3A_153] : memref<10240x128xf32, #tpu.memory_space<vmem_shared>> -> memref<128x128xf32, #tpu.memory_space<vmem_shared>>
      tpu.wait_dma2 semaphore(%run_scoped3A_150 : memref<!tpu.dma_semaphore, #tpu.memory_space<semaphore_mem>>) src(%arg5 : memref<128x128xf32, #tpu.memory_space<hbm>>) dst(%dma_wait3A_154 : memref<128x128xf32, #tpu.memory_space<vmem_shared>>)
      tpu.yield
    }) : () -> ()
    %mul3A_9 = arith.constant 640 : i32
    %mul3A_10 = arith.muli %arg1, %mul3A_9 : i32
    %add3A_11 = arith.constant 256 : i32
    %add3A_12 = arith.addi %mul3A_10, %add3A_11 : i32
    "tpu.region"() ({
      %run_scoped3A_150 = tpu.sem_alloc : memref<!tpu.dma_semaphore, #tpu.memory_space<semaphore_mem>>
      %dma_start3A_151 = arith.constant 0 : i32
      %dma_start3A_152 = tpu.memref_slice %arg11[%add3A_12, %dma_start3A_151] : memref<10240x128xf32, #tpu.memory_space<vmem_shared>> -> memref<128x128xf32, #tpu.memory_space<vmem_shared>>
      tpu.enqueue_dma source(%arg5 : memref<128x128xf32, #tpu.memory_space<hbm>>) target(%dma_start3A_152 : memref<128x128xf32, #tpu.memory_space<vmem_shared>>) target_semaphore(%run_scoped3A_150 : memref<!tpu.dma_semaphore, #tpu.memory_space<semaphore_mem>>)
      %dma_wait3A_153 = arith.constant 0 : i32
      %dma_wait3A_154 = tpu.memref_slice %arg11[%add3A_12, %dma_wait3A_153] : memref<10240x128xf32, #tpu.memory_space<vmem_shared>> -> memref<128x128xf32, #tpu.memory_space<vmem_shared>>
      tpu.wait_dma2 semaphore(%run_scoped3A_150 : memref<!tpu.dma_semaphore, #tpu.memory_space<semaphore_mem>>) src(%arg5 : memref<128x128xf32, #tpu.memory_space<hbm>>) dst(%dma_wait3A_154 : memref<128x128xf32, #tpu.memory_space<vmem_shared>>)
      tpu.yield
    }) : () -> ()
    %mul3A_13 = arith.constant 640 : i32
    %mul3A_14 = arith.muli %arg1, %mul3A_13 : i32
    %add3A_15 = arith.constant 384 : i32
    %add3A_16 = arith.addi %mul3A_14, %add3A_15 : i32
    "tpu.region"() ({
      %run_scoped3A_150 = tpu.sem_alloc : memref<!tpu.dma_semaphore, #tpu.memory_space<semaphore_mem>>
      %dma_start3A_151 = arith.constant 0 : i32
      %dma_start3A_152 = tpu.memref_slice %arg11[%add3A_16, %dma_start3A_151] : memref<10240x128xf32, #tpu.memory_space<vmem_shared>> -> memref<128x128xf32, #tpu.memory_space<vmem_shared>>
      tpu.enqueue_dma source(%arg5 : memref<128x128xf32, #tpu.memory_space<hbm>>) target(%dma_start3A_152 : memref<128x128xf32, #tpu.memory_space<vmem_shared>>) target_semaphore(%run_scoped3A_150 : memref<!tpu.dma_semaphore, #tpu.memory_space<semaphore_mem>>)
      %dma_wait3A_153 = arith.constant 0 : i32
      %dma_wait3A_154 = tpu.memref_slice %arg11[%add3A_16, %dma_wait3A_153] : memref<10240x128xf32, #tpu.memory_space<vmem_shared>> -> memref<128x128xf32, #tpu.memory_space<vmem_shared>>
      tpu.wait_dma2 semaphore(%run_scoped3A_150 : memref<!tpu.dma_semaphore, #tpu.memory_space<semaphore_mem>>) src(%arg5 : memref<128x128xf32, #tpu.memory_space<hbm>>) dst(%dma_wait3A_154 : memref<128x128xf32, #tpu.memory_space<vmem_shared>>)
      tpu.yield
    }) : () -> ()
    %mul3A_17 = arith.constant 640 : i32
    %mul3A_18 = arith.muli %arg1, %mul3A_17 : i32
    %add3A_19 = arith.constant 512 : i32
    %add3A_20 = arith.addi %mul3A_18, %add3A_19 : i32
    "tpu.region"() ({
      %run_scoped3A_150 = tpu.sem_alloc : memref<!tpu.dma_semaphore, #tpu.memory_space<semaphore_mem>>
      %dma_start3A_151 = arith.constant 0 : i32
      %dma_start3A_152 = tpu.memref_slice %arg11[%add3A_20, %dma_start3A_151] : memref<10240x128xf32, #tpu.memory_space<vmem_shared>> -> memref<128x128xf32, #tpu.memory_space<vmem_shared>>
      tpu.enqueue_dma source(%arg5 : memref<128x128xf32, #tpu.memory_space<hbm>>) target(%dma_start3A_152 : memref<128x128xf32, #tpu.memory_space<vmem_shared>>) target_semaphore(%run_scoped3A_150 : memref<!tpu.dma_semaphore, #tpu.memory_space<semaphore_mem>>)
      %dma_wait3A_153 = arith.constant 0 : i32
      %dma_wait3A_154 = tpu.memref_slice %arg11[%add3A_20, %dma_wait3A_153] : memref<10240x128xf32, #tpu.memory_space<vmem_shared>> -> memref<128x128xf32, #tpu.memory_space<vmem_shared>>
      tpu.wait_dma2 semaphore(%run_scoped3A_150 : memref<!tpu.dma_semaphore, #tpu.memory_space<semaphore_mem>>) src(%arg5 : memref<128x128xf32, #tpu.memory_space<hbm>>) dst(%dma_wait3A_154 : memref<128x128xf32, #tpu.memory_space<vmem_shared>>)
      tpu.yield
    }) : () -> ()
    %barrier3A = arith.constant 0 : index
    tpu.barrier barrier_id(%barrier3A)
    %mul3A_21 = arith.constant 80 : i32
    %mul3A_22 = arith.muli %add3A, %mul3A_21 : i32
    %mul3A_23 = arith.constant 128 : i32
    %mul3A_24 = arith.muli %mul3A_22, %mul3A_23 : i32
    %add3A_25 = arith.constant 0 : i32
    %add3A_26 = arith.addi %mul3A_24, %add3A_25 : i32
    %dma_start3A = arith.constant 0 : i32
    %dma_start3A_27 = arith.constant 0 : i32
    %dma_start3A_28 = tpu.memref_slice %arg7[%dma_start3A, %dma_start3A_27] : memref<2x128xi32, #tpu.memory_space<vmem>> -> memref<1x128xi32, #tpu.memory_space<vmem>>
    %dma_start3A_29 = tpu.memref_squeeze %dma_start3A_28 : memref<1x128xi32, #tpu.memory_space<vmem>> -> memref<128xi32, #tpu.memory_space<vmem>>
    %dma_start3A_30 = tpu.memref_slice %arg3[%add3A_26] : memref<327680xi32, #tpu.memory_space<hbm>> -> memref<128xi32, #tpu.memory_space<hbm>>
    %dma_start3A_31 = arith.constant 0 : i32
    %dma_start3A_32 = tpu.memref_slice %arg7[%dma_start3A, %dma_start3A_31] : memref<2x128xi32, #tpu.memory_space<vmem>> -> memref<1x128xi32, #tpu.memory_space<vmem>>
    %dma_start3A_33 = tpu.memref_squeeze %dma_start3A_32 : memref<1x128xi32, #tpu.memory_space<vmem>> -> memref<128xi32, #tpu.memory_space<vmem>>
    %dma_start3A_34 = tpu.memref_slice %arg3[%add3A_26] : memref<327680xi32, #tpu.memory_space<hbm>> -> memref<128xi32, #tpu.memory_space<hbm>>
    tpu.enqueue_dma source(%dma_start3A_34 : memref<128xi32, #tpu.memory_space<hbm>>) target(%dma_start3A_33 : memref<128xi32, #tpu.memory_space<vmem>>) target_semaphore(%arg12 : memref<!tpu.dma_semaphore, #tpu.memory_space<semaphore_mem>>)
    %add3A_35 = arith.constant 0 : i32
    %add3A_36 = arith.addi %mul3A_24, %add3A_35 : i32
    %dma_start3A_37 = arith.constant 0 : i32
    %dma_start3A_38 = arith.constant 0 : i32
    %dma_start3A_39 = tpu.memref_slice %arg8[%dma_start3A_37, %dma_start3A_38] : memref<2x128xi32, #tpu.memory_space<vmem>> -> memref<1x128xi32, #tpu.memory_space<vmem>>
    %dma_start3A_40 = tpu.memref_squeeze %dma_start3A_39 : memref<1x128xi32, #tpu.memory_space<vmem>> -> memref<128xi32, #tpu.memory_space<vmem>>
    %dma_start3A_41 = tpu.memref_slice %arg4[%add3A_36] : memref<327680xi32, #tpu.memory_space<hbm>> -> memref<128xi32, #tpu.memory_space<hbm>>
    %dma_start3A_42 = arith.constant 0 : i32
    %dma_start3A_43 = tpu.memref_slice %arg8[%dma_start3A_37, %dma_start3A_42] : memref<2x128xi32, #tpu.memory_space<vmem>> -> memref<1x128xi32, #tpu.memory_space<vmem>>
    %dma_start3A_44 = tpu.memref_squeeze %dma_start3A_43 : memref<1x128xi32, #tpu.memory_space<vmem>> -> memref<128xi32, #tpu.memory_space<vmem>>
    %dma_start3A_45 = tpu.memref_slice %arg4[%add3A_36] : memref<327680xi32, #tpu.memory_space<hbm>> -> memref<128xi32, #tpu.memory_space<hbm>>
    tpu.enqueue_dma source(%dma_start3A_45 : memref<128xi32, #tpu.memory_space<hbm>>) target(%dma_start3A_44 : memref<128xi32, #tpu.memory_space<vmem>>) target_semaphore(%arg14 : memref<!tpu.dma_semaphore, #tpu.memory_space<semaphore_mem>>)
    %add3A_46 = arith.constant 0 : i32
    %add3A_47 = arith.addi %mul3A_24, %add3A_46 : i32
    %dma_wait3A = arith.constant 0 : i32
    %dma_wait3A_48 = arith.constant 0 : i32
    %dma_wait3A_49 = tpu.memref_slice %arg7[%dma_wait3A, %dma_wait3A_48] : memref<2x128xi32, #tpu.memory_space<vmem>> -> memref<1x128xi32, #tpu.memory_space<vmem>>
    %dma_wait3A_50 = tpu.memref_squeeze %dma_wait3A_49 : memref<1x128xi32, #tpu.memory_space<vmem>> -> memref<128xi32, #tpu.memory_space<vmem>>
    %dma_wait3A_51 = tpu.memref_slice %arg3[%add3A_47] : memref<327680xi32, #tpu.memory_space<hbm>> -> memref<128xi32, #tpu.memory_space<hbm>>
    %dma_wait3A_52 = arith.constant 0 : i32
    %dma_wait3A_53 = tpu.memref_slice %arg7[%dma_wait3A, %dma_wait3A_52] : memref<2x128xi32, #tpu.memory_space<vmem>> -> memref<1x128xi32, #tpu.memory_space<vmem>>
    %dma_wait3A_54 = tpu.memref_squeeze %dma_wait3A_53 : memref<1x128xi32, #tpu.memory_space<vmem>> -> memref<128xi32, #tpu.memory_space<vmem>>
    %dma_wait3A_55 = tpu.memref_slice %arg3[%add3A_47] : memref<327680xi32, #tpu.memory_space<hbm>> -> memref<128xi32, #tpu.memory_space<hbm>>
    tpu.wait_dma2 semaphore(%arg12 : memref<!tpu.dma_semaphore, #tpu.memory_space<semaphore_mem>>) src(%dma_wait3A_55 : memref<128xi32, #tpu.memory_space<hbm>>) dst(%dma_wait3A_54 : memref<128xi32, #tpu.memory_space<vmem>>)
    %dma_start3A_56 = arith.constant 0 : i32
    %dma_start3A_57 = arith.constant 0 : i32
    %dma_start3A_58 = tpu.memref_slice %arg7[%dma_start3A_56, %dma_start3A_57] : memref<2x128xi32, #tpu.memory_space<vmem>> -> memref<1x128xi32, #tpu.memory_space<vmem>>
    %dma_start3A_59 = tpu.memref_squeeze %dma_start3A_58 : memref<1x128xi32, #tpu.memory_space<vmem>> -> memref<128xi32, #tpu.memory_space<vmem>>
    %dma_start3A_60 = arith.constant 0 : i32
    %dma_start3A_61 = arith.constant 0 : i32
    %dma_start3A_62 = tpu.memref_slice %arg2[%dma_start3A_60, %dma_start3A_61] : memref<10000x128xf32, #tpu.memory_space<hbm>> -> memref<10000x128xf32, #tpu.memory_space<hbm>>
    tpu.enqueue_indirect_dma source(%dma_start3A_62 : memref<10000x128xf32, #tpu.memory_space<hbm>>) target(%arg9 : memref<128x128xf32, #tpu.memory_space<vmem>>) offsets(%dma_start3A_59 : memref<128xi32, #tpu.memory_space<vmem>>) semaphore(%arg16 : memref<!tpu.dma_semaphore, #tpu.memory_space<semaphore_mem>>)
    %add3A_63 = arith.constant 128 : i32
    %add3A_64 = arith.addi %mul3A_24, %add3A_63 : i32
    %dma_start3A_65 = arith.constant 1 : i32
    %dma_start3A_66 = arith.constant 0 : i32
    %dma_start3A_67 = tpu.memref_slice %arg7[%dma_start3A_65, %dma_start3A_66] : memref<2x128xi32, #tpu.memory_space<vmem>> -> memref<1x128xi32, #tpu.memory_space<vmem>>
    %dma_start3A_68 = tpu.memref_squeeze %dma_start3A_67 : memref<1x128xi32, #tpu.memory_space<vmem>> -> memref<128xi32, #tpu.memory_space<vmem>>
    %dma_start3A_69 = tpu.memref_slice %arg3[%add3A_64] : memref<327680xi32, #tpu.memory_space<hbm>> -> memref<128xi32, #tpu.memory_space<hbm>>
    %dma_start3A_70 = arith.constant 0 : i32
    %dma_start3A_71 = tpu.memref_slice %arg7[%dma_start3A_65, %dma_start3A_70] : memref<2x128xi32, #tpu.memory_space<vmem>> -> memref<1x128xi32, #tpu.memory_space<vmem>>
    %dma_start3A_72 = tpu.memref_squeeze %dma_start3A_71 : memref<1x128xi32, #tpu.memory_space<vmem>> -> memref<128xi32, #tpu.memory_space<vmem>>
    %dma_start3A_73 = tpu.memref_slice %arg3[%add3A_64] : memref<327680xi32, #tpu.memory_space<hbm>> -> memref<128xi32, #tpu.memory_space<hbm>>
    tpu.enqueue_dma source(%dma_start3A_73 : memref<128xi32, #tpu.memory_space<hbm>>) target(%dma_start3A_72 : memref<128xi32, #tpu.memory_space<vmem>>) target_semaphore(%arg13 : memref<!tpu.dma_semaphore, #tpu.memory_space<semaphore_mem>>)
    %add3A_74 = arith.constant 128 : i32
    %add3A_75 = arith.addi %mul3A_24, %add3A_74 : i32
    %dma_start3A_76 = arith.constant 1 : i32
    %dma_start3A_77 = arith.constant 0 : i32
    %dma_start3A_78 = tpu.memref_slice %arg8[%dma_start3A_76, %dma_start3A_77] : memref<2x128xi32, #tpu.memory_space<vmem>> -> memref<1x128xi32, #tpu.memory_space<vmem>>
    %dma_start3A_79 = tpu.memref_squeeze %dma_start3A_78 : memref<1x128xi32, #tpu.memory_space<vmem>> -> memref<128xi32, #tpu.memory_space<vmem>>
    %dma_start3A_80 = tpu.memref_slice %arg4[%add3A_75] : memref<327680xi32, #tpu.memory_space<hbm>> -> memref<128xi32, #tpu.memory_space<hbm>>
    %dma_start3A_81 = arith.constant 0 : i32
    %dma_start3A_82 = tpu.memref_slice %arg8[%dma_start3A_76, %dma_start3A_81] : memref<2x128xi32, #tpu.memory_space<vmem>> -> memref<1x128xi32, #tpu.memory_space<vmem>>
    %dma_start3A_83 = tpu.memref_squeeze %dma_start3A_82 : memref<1x128xi32, #tpu.memory_space<vmem>> -> memref<128xi32, #tpu.memory_space<vmem>>
    %dma_start3A_84 = tpu.memref_slice %arg4[%add3A_75] : memref<327680xi32, #tpu.memory_space<hbm>> -> memref<128xi32, #tpu.memory_space<hbm>>
    tpu.enqueue_dma source(%dma_start3A_84 : memref<128xi32, #tpu.memory_space<hbm>>) target(%dma_start3A_83 : memref<128xi32, #tpu.memory_space<vmem>>) target_semaphore(%arg15 : memref<!tpu.dma_semaphore, #tpu.memory_space<semaphore_mem>>)
    %scan3A = arith.constant 0 : i32
    %scan3A_85 = arith.constant 0 : i32
    %scan3A_86 = arith.constant 39 : i32
    %scan3A_87 = arith.addi %scan3A_85, %scan3A_86 : i32
    %scan3A_88 = arith.constant 1 : i32
    scf.for %scan3A_150 = %scan3A_85 to %scan3A_87 step %scan3A_88  : i32 {
      %mul3A_151 = arith.constant 2 : i32
      %mul3A_152 = arith.muli %mul3A_151, %scan3A_150 : i32
      %add3A_153 = arith.constant 1 : i32
      %add3A_154 = arith.addi %mul3A_152, %add3A_153 : i32
      %mul3A_155 = arith.constant 128 : i32
      %mul3A_156 = arith.muli %add3A_154, %mul3A_155 : i32
      %add3A_157 = arith.addi %mul3A_24, %mul3A_156 : i32
      %dma_wait3A_158 = arith.constant 1 : i32
      %dma_wait3A_159 = arith.constant 0 : i32
      %dma_wait3A_160 = tpu.memref_slice %arg7[%dma_wait3A_158, %dma_wait3A_159] : memref<2x128xi32, #tpu.memory_space<vmem>> -> memref<1x128xi32, #tpu.memory_space<vmem>>
      %dma_wait3A_161 = tpu.memref_squeeze %dma_wait3A_160 : memref<1x128xi32, #tpu.memory_space<vmem>> -> memref<128xi32, #tpu.memory_space<vmem>>
      %dma_wait3A_162 = tpu.memref_slice %arg3[%add3A_157] : memref<327680xi32, #tpu.memory_space<hbm>> -> memref<128xi32, #tpu.memory_space<hbm>>
      %dma_wait3A_163 = arith.constant 0 : i32
      %dma_wait3A_164 = tpu.memref_slice %arg7[%dma_wait3A_158, %dma_wait3A_163] : memref<2x128xi32, #tpu.memory_space<vmem>> -> memref<1x128xi32, #tpu.memory_space<vmem>>
      %dma_wait3A_165 = tpu.memref_squeeze %dma_wait3A_164 : memref<1x128xi32, #tpu.memory_space<vmem>> -> memref<128xi32, #tpu.memory_space<vmem>>
      %dma_wait3A_166 = tpu.memref_slice %arg3[%add3A_157] : memref<327680xi32, #tpu.memory_space<hbm>> -> memref<128xi32, #tpu.memory_space<hbm>>
      tpu.wait_dma2 semaphore(%arg13 : memref<!tpu.dma_semaphore, #tpu.memory_space<semaphore_mem>>) src(%dma_wait3A_166 : memref<128xi32, #tpu.memory_space<hbm>>) dst(%dma_wait3A_165 : memref<128xi32, #tpu.memory_space<vmem>>)
      %dma_start3A_167 = arith.constant 1 : i32
      %dma_start3A_168 = arith.constant 0 : i32
      %dma_start3A_169 = tpu.memref_slice %arg7[%dma_start3A_167, %dma_start3A_168] : memref<2x128xi32, #tpu.memory_space<vmem>> -> memref<1x128xi32, #tpu.memory_space<vmem>>
      %dma_start3A_170 = tpu.memref_squeeze %dma_start3A_169 : memref<1x128xi32, #tpu.memory_space<vmem>> -> memref<128xi32, #tpu.memory_space<vmem>>
      %dma_start3A_171 = arith.constant 0 : i32
      %dma_start3A_172 = arith.constant 0 : i32
      %dma_start3A_173 = tpu.memref_slice %arg2[%dma_start3A_171, %dma_start3A_172] : memref<10000x128xf32, #tpu.memory_space<hbm>> -> memref<10000x128xf32, #tpu.memory_space<hbm>>
      tpu.enqueue_indirect_dma source(%dma_start3A_173 : memref<10000x128xf32, #tpu.memory_space<hbm>>) target(%arg10 : memref<128x128xf32, #tpu.memory_space<vmem>>) offsets(%dma_start3A_170 : memref<128xi32, #tpu.memory_space<vmem>>) semaphore(%arg17 : memref<!tpu.dma_semaphore, #tpu.memory_space<semaphore_mem>>)
      %dma_wait3A_174 = arith.constant 0 : i32
      %dma_wait3A_175 = arith.constant 0 : i32
      %dma_wait3A_176 = tpu.memref_slice %arg7[%dma_wait3A_174, %dma_wait3A_175] : memref<2x128xi32, #tpu.memory_space<vmem>> -> memref<1x128xi32, #tpu.memory_space<vmem>>
      %dma_wait3A_177 = tpu.memref_squeeze %dma_wait3A_176 : memref<1x128xi32, #tpu.memory_space<vmem>> -> memref<128xi32, #tpu.memory_space<vmem>>
      %dma_wait3A_178 = arith.constant 0 : i32
      %dma_wait3A_179 = arith.constant 0 : i32
      %dma_wait3A_180 = tpu.memref_slice %arg2[%dma_wait3A_178, %dma_wait3A_179] : memref<10000x128xf32, #tpu.memory_space<hbm>> -> memref<10000x128xf32, #tpu.memory_space<hbm>>
      tpu.wait_indirect_dma semaphore(%arg16 : memref<!tpu.dma_semaphore, #tpu.memory_space<semaphore_mem>>) src(%dma_wait3A_180 : memref<10000x128xf32, #tpu.memory_space<hbm>>) dst(%arg9 : memref<128x128xf32, #tpu.memory_space<vmem>>)
      %add3A_181 = arith.constant 2 : i32
      %add3A_182 = arith.addi %mul3A_152, %add3A_181 : i32
      %mul3A_183 = arith.constant 128 : i32
      %mul3A_184 = arith.muli %add3A_182, %mul3A_183 : i32
      %add3A_185 = arith.addi %mul3A_24, %mul3A_184 : i32
      %dma_start3A_186 = arith.constant 0 : i32
      %dma_start3A_187 = arith.constant 0 : i32
      %dma_start3A_188 = tpu.memref_slice %arg7[%dma_start3A_186, %dma_start3A_187] : memref<2x128xi32, #tpu.memory_space<vmem>> -> memref<1x128xi32, #tpu.memory_space<vmem>>
      %dma_start3A_189 = tpu.memref_squeeze %dma_start3A_188 : memref<1x128xi32, #tpu.memory_space<vmem>> -> memref<128xi32, #tpu.memory_space<vmem>>
      %dma_start3A_190 = tpu.memref_slice %arg3[%add3A_185] : memref<327680xi32, #tpu.memory_space<hbm>> -> memref<128xi32, #tpu.memory_space<hbm>>
      %dma_start3A_191 = arith.constant 0 : i32
      %dma_start3A_192 = tpu.memref_slice %arg7[%dma_start3A_186, %dma_start3A_191] : memref<2x128xi32, #tpu.memory_space<vmem>> -> memref<1x128xi32, #tpu.memory_space<vmem>>
      %dma_start3A_193 = tpu.memref_squeeze %dma_start3A_192 : memref<1x128xi32, #tpu.memory_space<vmem>> -> memref<128xi32, #tpu.memory_space<vmem>>
      %dma_start3A_194 = tpu.memref_slice %arg3[%add3A_185] : memref<327680xi32, #tpu.memory_space<hbm>> -> memref<128xi32, #tpu.memory_space<hbm>>
      tpu.enqueue_dma source(%dma_start3A_194 : memref<128xi32, #tpu.memory_space<hbm>>) target(%dma_start3A_193 : memref<128xi32, #tpu.memory_space<vmem>>) target_semaphore(%arg12 : memref<!tpu.dma_semaphore, #tpu.memory_space<semaphore_mem>>)
      %mul3A_195 = arith.constant 128 : i32
      %mul3A_196 = arith.muli %mul3A_152, %mul3A_195 : i32
      %add3A_197 = arith.addi %mul3A_24, %mul3A_196 : i32
      %dma_wait3A_198 = arith.constant 0 : i32
      %dma_wait3A_199 = arith.constant 0 : i32
      %dma_wait3A_200 = tpu.memref_slice %arg8[%dma_wait3A_198, %dma_wait3A_199] : memref<2x128xi32, #tpu.memory_space<vmem>> -> memref<1x128xi32, #tpu.memory_space<vmem>>
      %dma_wait3A_201 = tpu.memref_squeeze %dma_wait3A_200 : memref<1x128xi32, #tpu.memory_space<vmem>> -> memref<128xi32, #tpu.memory_space<vmem>>
      %dma_wait3A_202 = tpu.memref_slice %arg4[%add3A_197] : memref<327680xi32, #tpu.memory_space<hbm>> -> memref<128xi32, #tpu.memory_space<hbm>>
      %dma_wait3A_203 = arith.constant 0 : i32
      %dma_wait3A_204 = tpu.memref_slice %arg8[%dma_wait3A_198, %dma_wait3A_203] : memref<2x128xi32, #tpu.memory_space<vmem>> -> memref<1x128xi32, #tpu.memory_space<vmem>>
      %dma_wait3A_205 = tpu.memref_squeeze %dma_wait3A_204 : memref<1x128xi32, #tpu.memory_space<vmem>> -> memref<128xi32, #tpu.memory_space<vmem>>
      %dma_wait3A_206 = tpu.memref_slice %arg4[%add3A_197] : memref<327680xi32, #tpu.memory_space<hbm>> -> memref<128xi32, #tpu.memory_space<hbm>>
      tpu.wait_dma2 semaphore(%arg14 : memref<!tpu.dma_semaphore, #tpu.memory_space<semaphore_mem>>) src(%dma_wait3A_206 : memref<128xi32, #tpu.memory_space<hbm>>) dst(%dma_wait3A_205 : memref<128xi32, #tpu.memory_space<vmem>>)
      %run_scoped3A_207 = arith.constant 0 : i32
      "tpu.region"() ({
        %run_scoped3A_293 = tpu.sem_alloc : memref<!tpu.dma_semaphore, #tpu.memory_space<semaphore_mem>>
        %dma_start3A_294 = arith.constant 0 : i32
        %dma_start3A_295 = tpu.memref_slice %arg8[%run_scoped3A_207, %dma_start3A_294] : memref<2x128xi32, #tpu.memory_space<vmem>> -> memref<1x128xi32, #tpu.memory_space<vmem>>
        %dma_start3A_296 = tpu.memref_squeeze %dma_start3A_295 : memref<1x128xi32, #tpu.memory_space<vmem>> -> memref<128xi32, #tpu.memory_space<vmem>>
        %dma_start3A_297 = arith.constant 0 : i32
        %dma_start3A_298 = arith.constant 0 : i32
        %dma_start3A_299 = tpu.memref_slice %arg11[%dma_start3A_297, %dma_start3A_298] : memref<10240x128xf32, #tpu.memory_space<vmem_shared>> -> memref<10240x128xf32, #tpu.memory_space<vmem_shared>>
        tpu.enqueue_indirect_dma source(%arg9 : memref<128x128xf32, #tpu.memory_space<vmem>>) target(%dma_start3A_299 : memref<10240x128xf32, #tpu.memory_space<vmem_shared>>) offsets(%dma_start3A_296 : memref<128xi32, #tpu.memory_space<vmem>>) semaphore(%run_scoped3A_293 : memref<!tpu.dma_semaphore, #tpu.memory_space<semaphore_mem>>) {add = true}
        %dma_wait3A_300 = arith.constant 0 : i32
        %dma_wait3A_301 = tpu.memref_slice %arg8[%run_scoped3A_207, %dma_wait3A_300] : memref<2x128xi32, #tpu.memory_space<vmem>> -> memref<1x128xi32, #tpu.memory_space<vmem>>
        %dma_wait3A_302 = tpu.memref_squeeze %dma_wait3A_301 : memref<1x128xi32, #tpu.memory_space<vmem>> -> memref<128xi32, #tpu.memory_space<vmem>>
        %dma_wait3A_303 = arith.constant 0 : i32
        %dma_wait3A_304 = arith.constant 0 : i32
        %dma_wait3A_305 = tpu.memref_slice %arg11[%dma_wait3A_303, %dma_wait3A_304] : memref<10240x128xf32, #tpu.memory_space<vmem_shared>> -> memref<10240x128xf32, #tpu.memory_space<vmem_shared>>
        tpu.wait_indirect_dma semaphore(%run_scoped3A_293 : memref<!tpu.dma_semaphore, #tpu.memory_space<semaphore_mem>>) src(%arg9 : memref<128x128xf32, #tpu.memory_space<vmem>>) dst(%dma_wait3A_305 : memref<10240x128xf32, #tpu.memory_space<vmem_shared>>)
        tpu.yield
      }) : () -> ()
      %add3A_208 = arith.constant 2 : i32
      %add3A_209 = arith.addi %mul3A_152, %add3A_208 : i32
      %mul3A_210 = arith.constant 128 : i32
      %mul3A_211 = arith.muli %add3A_209, %mul3A_210 : i32
      %add3A_212 = arith.addi %mul3A_24, %mul3A_211 : i32
      %dma_start3A_213 = arith.constant 0 : i32
      %dma_start3A_214 = arith.constant 0 : i32
      %dma_start3A_215 = tpu.memref_slice %arg8[%dma_start3A_213, %dma_start3A_214] : memref<2x128xi32, #tpu.memory_space<vmem>> -> memref<1x128xi32, #tpu.memory_space<vmem>>
      %dma_start3A_216 = tpu.memref_squeeze %dma_start3A_215 : memref<1x128xi32, #tpu.memory_space<vmem>> -> memref<128xi32, #tpu.memory_space<vmem>>
      %dma_start3A_217 = tpu.memref_slice %arg4[%add3A_212] : memref<327680xi32, #tpu.memory_space<hbm>> -> memref<128xi32, #tpu.memory_space<hbm>>
      %dma_start3A_218 = arith.constant 0 : i32
      %dma_start3A_219 = tpu.memref_slice %arg8[%dma_start3A_213, %dma_start3A_218] : memref<2x128xi32, #tpu.memory_space<vmem>> -> memref<1x128xi32, #tpu.memory_space<vmem>>
      %dma_start3A_220 = tpu.memref_squeeze %dma_start3A_219 : memref<1x128xi32, #tpu.memory_space<vmem>> -> memref<128xi32, #tpu.memory_space<vmem>>
      %dma_start3A_221 = tpu.memref_slice %arg4[%add3A_212] : memref<327680xi32, #tpu.memory_space<hbm>> -> memref<128xi32, #tpu.memory_space<hbm>>
      tpu.enqueue_dma source(%dma_start3A_221 : memref<128xi32, #tpu.memory_space<hbm>>) target(%dma_start3A_220 : memref<128xi32, #tpu.memory_space<vmem>>) target_semaphore(%arg14 : memref<!tpu.dma_semaphore, #tpu.memory_space<semaphore_mem>>)
      %add3A_222 = arith.constant 2 : i32
      %add3A_223 = arith.addi %mul3A_152, %add3A_222 : i32
      %mul3A_224 = arith.constant 128 : i32
      %mul3A_225 = arith.muli %add3A_223, %mul3A_224 : i32
      %add3A_226 = arith.addi %mul3A_24, %mul3A_225 : i32
      %dma_wait3A_227 = arith.constant 0 : i32
      %dma_wait3A_228 = arith.constant 0 : i32
      %dma_wait3A_229 = tpu.memref_slice %arg7[%dma_wait3A_227, %dma_wait3A_228] : memref<2x128xi32, #tpu.memory_space<vmem>> -> memref<1x128xi32, #tpu.memory_space<vmem>>
      %dma_wait3A_230 = tpu.memref_squeeze %dma_wait3A_229 : memref<1x128xi32, #tpu.memory_space<vmem>> -> memref<128xi32, #tpu.memory_space<vmem>>
      %dma_wait3A_231 = tpu.memref_slice %arg3[%add3A_226] : memref<327680xi32, #tpu.memory_space<hbm>> -> memref<128xi32, #tpu.memory_space<hbm>>
      %dma_wait3A_232 = arith.constant 0 : i32
      %dma_wait3A_233 = tpu.memref_slice %arg7[%dma_wait3A_227, %dma_wait3A_232] : memref<2x128xi32, #tpu.memory_space<vmem>> -> memref<1x128xi32, #tpu.memory_space<vmem>>
      %dma_wait3A_234 = tpu.memref_squeeze %dma_wait3A_233 : memref<1x128xi32, #tpu.memory_space<vmem>> -> memref<128xi32, #tpu.memory_space<vmem>>
      %dma_wait3A_235 = tpu.memref_slice %arg3[%add3A_226] : memref<327680xi32, #tpu.memory_space<hbm>> -> memref<128xi32, #tpu.memory_space<hbm>>
      tpu.wait_dma2 semaphore(%arg12 : memref<!tpu.dma_semaphore, #tpu.memory_space<semaphore_mem>>) src(%dma_wait3A_235 : memref<128xi32, #tpu.memory_space<hbm>>) dst(%dma_wait3A_234 : memref<128xi32, #tpu.memory_space<vmem>>)
      %dma_start3A_236 = arith.constant 0 : i32
      %dma_start3A_237 = arith.constant 0 : i32
      %dma_start3A_238 = tpu.memref_slice %arg7[%dma_start3A_236, %dma_start3A_237] : memref<2x128xi32, #tpu.memory_space<vmem>> -> memref<1x128xi32, #tpu.memory_space<vmem>>
      %dma_start3A_239 = tpu.memref_squeeze %dma_start3A_238 : memref<1x128xi32, #tpu.memory_space<vmem>> -> memref<128xi32, #tpu.memory_space<vmem>>
      %dma_start3A_240 = arith.constant 0 : i32
      %dma_start3A_241 = arith.constant 0 : i32
      %dma_start3A_242 = tpu.memref_slice %arg2[%dma_start3A_240, %dma_start3A_241] : memref<10000x128xf32, #tpu.memory_space<hbm>> -> memref<10000x128xf32, #tpu.memory_space<hbm>>
      tpu.enqueue_indirect_dma source(%dma_start3A_242 : memref<10000x128xf32, #tpu.memory_space<hbm>>) target(%arg9 : memref<128x128xf32, #tpu.memory_space<vmem>>) offsets(%dma_start3A_239 : memref<128xi32, #tpu.memory_space<vmem>>) semaphore(%arg16 : memref<!tpu.dma_semaphore, #tpu.memory_space<semaphore_mem>>)
      %dma_wait3A_243 = arith.constant 1 : i32
      %dma_wait3A_244 = arith.constant 0 : i32
      %dma_wait3A_245 = tpu.memref_slice %arg7[%dma_wait3A_243, %dma_wait3A_244] : memref<2x128xi32, #tpu.memory_space<vmem>> -> memref<1x128xi32, #tpu.memory_space<vmem>>
      %dma_wait3A_246 = tpu.memref_squeeze %dma_wait3A_245 : memref<1x128xi32, #tpu.memory_space<vmem>> -> memref<128xi32, #tpu.memory_space<vmem>>
      %dma_wait3A_247 = arith.constant 0 : i32
      %dma_wait3A_248 = arith.constant 0 : i32
      %dma_wait3A_249 = tpu.memref_slice %arg2[%dma_wait3A_247, %dma_wait3A_248] : memref<10000x128xf32, #tpu.memory_space<hbm>> -> memref<10000x128xf32, #tpu.memory_space<hbm>>
      tpu.wait_indirect_dma semaphore(%arg17 : memref<!tpu.dma_semaphore, #tpu.memory_space<semaphore_mem>>) src(%dma_wait3A_249 : memref<10000x128xf32, #tpu.memory_space<hbm>>) dst(%arg10 : memref<128x128xf32, #tpu.memory_space<vmem>>)
      %add3A_250 = arith.constant 3 : i32
      %add3A_251 = arith.addi %mul3A_152, %add3A_250 : i32
      %mul3A_252 = arith.constant 128 : i32
      %mul3A_253 = arith.muli %add3A_251, %mul3A_252 : i32
      %add3A_254 = arith.addi %mul3A_24, %mul3A_253 : i32
      %dma_start3A_255 = arith.constant 1 : i32
      %dma_start3A_256 = arith.constant 0 : i32
      %dma_start3A_257 = tpu.memref_slice %arg7[%dma_start3A_255, %dma_start3A_256] : memref<2x128xi32, #tpu.memory_space<vmem>> -> memref<1x128xi32, #tpu.memory_space<vmem>>
      %dma_start3A_258 = tpu.memref_squeeze %dma_start3A_257 : memref<1x128xi32, #tpu.memory_space<vmem>> -> memref<128xi32, #tpu.memory_space<vmem>>
      %dma_start3A_259 = tpu.memref_slice %arg3[%add3A_254] : memref<327680xi32, #tpu.memory_space<hbm>> -> memref<128xi32, #tpu.memory_space<hbm>>
      %dma_start3A_260 = arith.constant 0 : i32
      %dma_start3A_261 = tpu.memref_slice %arg7[%dma_start3A_255, %dma_start3A_260] : memref<2x128xi32, #tpu.memory_space<vmem>> -> memref<1x128xi32, #tpu.memory_space<vmem>>
      %dma_start3A_262 = tpu.memref_squeeze %dma_start3A_261 : memref<1x128xi32, #tpu.memory_space<vmem>> -> memref<128xi32, #tpu.memory_space<vmem>>
      %dma_start3A_263 = tpu.memref_slice %arg3[%add3A_254] : memref<327680xi32, #tpu.memory_space<hbm>> -> memref<128xi32, #tpu.memory_space<hbm>>
      tpu.enqueue_dma source(%dma_start3A_263 : memref<128xi32, #tpu.memory_space<hbm>>) target(%dma_start3A_262 : memref<128xi32, #tpu.memory_space<vmem>>) target_semaphore(%arg13 : memref<!tpu.dma_semaphore, #tpu.memory_space<semaphore_mem>>)
      %add3A_264 = arith.constant 1 : i32
      %add3A_265 = arith.addi %mul3A_152, %add3A_264 : i32
      %mul3A_266 = arith.constant 128 : i32
      %mul3A_267 = arith.muli %add3A_265, %mul3A_266 : i32
      %add3A_268 = arith.addi %mul3A_24, %mul3A_267 : i32
      %dma_wait3A_269 = arith.constant 1 : i32
      %dma_wait3A_270 = arith.constant 0 : i32
      %dma_wait3A_271 = tpu.memref_slice %arg8[%dma_wait3A_269, %dma_wait3A_270] : memref<2x128xi32, #tpu.memory_space<vmem>> -> memref<1x128xi32, #tpu.memory_space<vmem>>
      %dma_wait3A_272 = tpu.memref_squeeze %dma_wait3A_271 : memref<1x128xi32, #tpu.memory_space<vmem>> -> memref<128xi32, #tpu.memory_space<vmem>>
      %dma_wait3A_273 = tpu.memref_slice %arg4[%add3A_268] : memref<327680xi32, #tpu.memory_space<hbm>> -> memref<128xi32, #tpu.memory_space<hbm>>
      %dma_wait3A_274 = arith.constant 0 : i32
      %dma_wait3A_275 = tpu.memref_slice %arg8[%dma_wait3A_269, %dma_wait3A_274] : memref<2x128xi32, #tpu.memory_space<vmem>> -> memref<1x128xi32, #tpu.memory_space<vmem>>
      %dma_wait3A_276 = tpu.memref_squeeze %dma_wait3A_275 : memref<1x128xi32, #tpu.memory_space<vmem>> -> memref<128xi32, #tpu.memory_space<vmem>>
      %dma_wait3A_277 = tpu.memref_slice %arg4[%add3A_268] : memref<327680xi32, #tpu.memory_space<hbm>> -> memref<128xi32, #tpu.memory_space<hbm>>
      tpu.wait_dma2 semaphore(%arg15 : memref<!tpu.dma_semaphore, #tpu.memory_space<semaphore_mem>>) src(%dma_wait3A_277 : memref<128xi32, #tpu.memory_space<hbm>>) dst(%dma_wait3A_276 : memref<128xi32, #tpu.memory_space<vmem>>)
      %run_scoped3A_278 = arith.constant 1 : i32
      "tpu.region"() ({
        %run_scoped3A_293 = tpu.sem_alloc : memref<!tpu.dma_semaphore, #tpu.memory_space<semaphore_mem>>
        %dma_start3A_294 = arith.constant 0 : i32
        %dma_start3A_295 = tpu.memref_slice %arg8[%run_scoped3A_278, %dma_start3A_294] : memref<2x128xi32, #tpu.memory_space<vmem>> -> memref<1x128xi32, #tpu.memory_space<vmem>>
        %dma_start3A_296 = tpu.memref_squeeze %dma_start3A_295 : memref<1x128xi32, #tpu.memory_space<vmem>> -> memref<128xi32, #tpu.memory_space<vmem>>
        %dma_start3A_297 = arith.constant 0 : i32
        %dma_start3A_298 = arith.constant 0 : i32
        %dma_start3A_299 = tpu.memref_slice %arg11[%dma_start3A_297, %dma_start3A_298] : memref<10240x128xf32, #tpu.memory_space<vmem_shared>> -> memref<10240x128xf32, #tpu.memory_space<vmem_shared>>
        tpu.enqueue_indirect_dma source(%arg10 : memref<128x128xf32, #tpu.memory_space<vmem>>) target(%dma_start3A_299 : memref<10240x128xf32, #tpu.memory_space<vmem_shared>>) offsets(%dma_start3A_296 : memref<128xi32, #tpu.memory_space<vmem>>) semaphore(%run_scoped3A_293 : memref<!tpu.dma_semaphore, #tpu.memory_space<semaphore_mem>>) {add = true}
        %dma_wait3A_300 = arith.constant 0 : i32
        %dma_wait3A_301 = tpu.memref_slice %arg8[%run_scoped3A_278, %dma_wait3A_300] : memref<2x128xi32, #tpu.memory_space<vmem>> -> memref<1x128xi32, #tpu.memory_space<vmem>>
        %dma_wait3A_302 = tpu.memref_squeeze %dma_wait3A_301 : memref<1x128xi32, #tpu.memory_space<vmem>> -> memref<128xi32, #tpu.memory_space<vmem>>
        %dma_wait3A_303 = arith.constant 0 : i32
        %dma_wait3A_304 = arith.constant 0 : i32
        %dma_wait3A_305 = tpu.memref_slice %arg11[%dma_wait3A_303, %dma_wait3A_304] : memref<10240x128xf32, #tpu.memory_space<vmem_shared>> -> memref<10240x128xf32, #tpu.memory_space<vmem_shared>>
        tpu.wait_indirect_dma semaphore(%run_scoped3A_293 : memref<!tpu.dma_semaphore, #tpu.memory_space<semaphore_mem>>) src(%arg10 : memref<128x128xf32, #tpu.memory_space<vmem>>) dst(%dma_wait3A_305 : memref<10240x128xf32, #tpu.memory_space<vmem_shared>>)
        tpu.yield
      }) : () -> ()
      %add3A_279 = arith.constant 3 : i32
      %add3A_280 = arith.addi %mul3A_152, %add3A_279 : i32
      %mul3A_281 = arith.constant 128 : i32
      %mul3A_282 = arith.muli %add3A_280, %mul3A_281 : i32
      %add3A_283 = arith.addi %mul3A_24, %mul3A_282 : i32
      %dma_start3A_284 = arith.constant 1 : i32
      %dma_start3A_285 = arith.constant 0 : i32
      %dma_start3A_286 = tpu.memref_slice %arg8[%dma_start3A_284, %dma_start3A_285] : memref<2x128xi32, #tpu.memory_space<vmem>> -> memref<1x128xi32, #tpu.memory_space<vmem>>
      %dma_start3A_287 = tpu.memref_squeeze %dma_start3A_286 : memref<1x128xi32, #tpu.memory_space<vmem>> -> memref<128xi32, #tpu.memory_space<vmem>>
      %dma_start3A_288 = tpu.memref_slice %arg4[%add3A_283] : memref<327680xi32, #tpu.memory_space<hbm>> -> memref<128xi32, #tpu.memory_space<hbm>>
      %dma_start3A_289 = arith.constant 0 : i32
      %dma_start3A_290 = tpu.memref_slice %arg8[%dma_start3A_284, %dma_start3A_289] : memref<2x128xi32, #tpu.memory_space<vmem>> -> memref<1x128xi32, #tpu.memory_space<vmem>>
      %dma_start3A_291 = tpu.memref_squeeze %dma_start3A_290 : memref<1x128xi32, #tpu.memory_space<vmem>> -> memref<128xi32, #tpu.memory_space<vmem>>
      %dma_start3A_292 = tpu.memref_slice %arg4[%add3A_283] : memref<327680xi32, #tpu.memory_space<hbm>> -> memref<128xi32, #tpu.memory_space<hbm>>
      tpu.enqueue_dma source(%dma_start3A_292 : memref<128xi32, #tpu.memory_space<hbm>>) target(%dma_start3A_291 : memref<128xi32, #tpu.memory_space<vmem>>) target_semaphore(%arg15 : memref<!tpu.dma_semaphore, #tpu.memory_space<semaphore_mem>>)
    }
    %scan3A_89 = arith.constant 39 : i32
    %add3A_90 = arith.constant 10112 : i32
    %add3A_91 = arith.addi %mul3A_24, %add3A_90 : i32
    %dma_wait3A_92 = arith.constant 1 : i32
    %dma_wait3A_93 = arith.constant 0 : i32
    %dma_wait3A_94 = tpu.memref_slice %arg7[%dma_wait3A_92, %dma_wait3A_93] : memref<2x128xi32, #tpu.memory_space<vmem>> -> memref<1x128xi32, #tpu.memory_space<vmem>>
    %dma_wait3A_95 = tpu.memref_squeeze %dma_wait3A_94 : memref<1x128xi32, #tpu.memory_space<vmem>> -> memref<128xi32, #tpu.memory_space<vmem>>
    %dma_wait3A_96 = tpu.memref_slice %arg3[%add3A_91] : memref<327680xi32, #tpu.memory_space<hbm>> -> memref<128xi32, #tpu.memory_space<hbm>>
    %dma_wait3A_97 = arith.constant 0 : i32
    %dma_wait3A_98 = tpu.memref_slice %arg7[%dma_wait3A_92, %dma_wait3A_97] : memref<2x128xi32, #tpu.memory_space<vmem>> -> memref<1x128xi32, #tpu.memory_space<vmem>>
    %dma_wait3A_99 = tpu.memref_squeeze %dma_wait3A_98 : memref<1x128xi32, #tpu.memory_space<vmem>> -> memref<128xi32, #tpu.memory_space<vmem>>
    %dma_wait3A_100 = tpu.memref_slice %arg3[%add3A_91] : memref<327680xi32, #tpu.memory_space<hbm>> -> memref<128xi32, #tpu.memory_space<hbm>>
    tpu.wait_dma2 semaphore(%arg13 : memref<!tpu.dma_semaphore, #tpu.memory_space<semaphore_mem>>) src(%dma_wait3A_100 : memref<128xi32, #tpu.memory_space<hbm>>) dst(%dma_wait3A_99 : memref<128xi32, #tpu.memory_space<vmem>>)
    %dma_start3A_101 = arith.constant 1 : i32
    %dma_start3A_102 = arith.constant 0 : i32
    %dma_start3A_103 = tpu.memref_slice %arg7[%dma_start3A_101, %dma_start3A_102] : memref<2x128xi32, #tpu.memory_space<vmem>> -> memref<1x128xi32, #tpu.memory_space<vmem>>
    %dma_start3A_104 = tpu.memref_squeeze %dma_start3A_103 : memref<1x128xi32, #tpu.memory_space<vmem>> -> memref<128xi32, #tpu.memory_space<vmem>>
    %dma_start3A_105 = arith.constant 0 : i32
    %dma_start3A_106 = arith.constant 0 : i32
    %dma_start3A_107 = tpu.memref_slice %arg2[%dma_start3A_105, %dma_start3A_106] : memref<10000x128xf32, #tpu.memory_space<hbm>> -> memref<10000x128xf32, #tpu.memory_space<hbm>>
    tpu.enqueue_indirect_dma source(%dma_start3A_107 : memref<10000x128xf32, #tpu.memory_space<hbm>>) target(%arg10 : memref<128x128xf32, #tpu.memory_space<vmem>>) offsets(%dma_start3A_104 : memref<128xi32, #tpu.memory_space<vmem>>) semaphore(%arg17 : memref<!tpu.dma_semaphore, #tpu.memory_space<semaphore_mem>>)
    %dma_wait3A_108 = arith.constant 0 : i32
    %dma_wait3A_109 = arith.constant 0 : i32
    %dma_wait3A_110 = tpu.memref_slice %arg7[%dma_wait3A_108, %dma_wait3A_109] : memref<2x128xi32, #tpu.memory_space<vmem>> -> memref<1x128xi32, #tpu.memory_space<vmem>>
    %dma_wait3A_111 = tpu.memref_squeeze %dma_wait3A_110 : memref<1x128xi32, #tpu.memory_space<vmem>> -> memref<128xi32, #tpu.memory_space<vmem>>
    %dma_wait3A_112 = arith.constant 0 : i32
    %dma_wait3A_113 = arith.constant 0 : i32
    %dma_wait3A_114 = tpu.memref_slice %arg2[%dma_wait3A_112, %dma_wait3A_113] : memref<10000x128xf32, #tpu.memory_space<hbm>> -> memref<10000x128xf32, #tpu.memory_space<hbm>>
    tpu.wait_indirect_dma semaphore(%arg16 : memref<!tpu.dma_semaphore, #tpu.memory_space<semaphore_mem>>) src(%dma_wait3A_114 : memref<10000x128xf32, #tpu.memory_space<hbm>>) dst(%arg9 : memref<128x128xf32, #tpu.memory_space<vmem>>)
    %add3A_115 = arith.constant 9984 : i32
    %add3A_116 = arith.addi %mul3A_24, %add3A_115 : i32
    %dma_wait3A_117 = arith.constant 0 : i32
    %dma_wait3A_118 = arith.constant 0 : i32
    %dma_wait3A_119 = tpu.memref_slice %arg8[%dma_wait3A_117, %dma_wait3A_118] : memref<2x128xi32, #tpu.memory_space<vmem>> -> memref<1x128xi32, #tpu.memory_space<vmem>>
    %dma_wait3A_120 = tpu.memref_squeeze %dma_wait3A_119 : memref<1x128xi32, #tpu.memory_space<vmem>> -> memref<128xi32, #tpu.memory_space<vmem>>
    %dma_wait3A_121 = tpu.memref_slice %arg4[%add3A_116] : memref<327680xi32, #tpu.memory_space<hbm>> -> memref<128xi32, #tpu.memory_space<hbm>>
    %dma_wait3A_122 = arith.constant 0 : i32
    %dma_wait3A_123 = tpu.memref_slice %arg8[%dma_wait3A_117, %dma_wait3A_122] : memref<2x128xi32, #tpu.memory_space<vmem>> -> memref<1x128xi32, #tpu.memory_space<vmem>>
    %dma_wait3A_124 = tpu.memref_squeeze %dma_wait3A_123 : memref<1x128xi32, #tpu.memory_space<vmem>> -> memref<128xi32, #tpu.memory_space<vmem>>
    %dma_wait3A_125 = tpu.memref_slice %arg4[%add3A_116] : memref<327680xi32, #tpu.memory_space<hbm>> -> memref<128xi32, #tpu.memory_space<hbm>>
    tpu.wait_dma2 semaphore(%arg14 : memref<!tpu.dma_semaphore, #tpu.memory_space<semaphore_mem>>) src(%dma_wait3A_125 : memref<128xi32, #tpu.memory_space<hbm>>) dst(%dma_wait3A_124 : memref<128xi32, #tpu.memory_space<vmem>>)
    %run_scoped3A = arith.constant 0 : i32
    "tpu.region"() ({
      %run_scoped3A_150 = tpu.sem_alloc : memref<!tpu.dma_semaphore, #tpu.memory_space<semaphore_mem>>
      %dma_start3A_151 = arith.constant 0 : i32
      %dma_start3A_152 = tpu.memref_slice %arg8[%run_scoped3A, %dma_start3A_151] : memref<2x128xi32, #tpu.memory_space<vmem>> -> memref<1x128xi32, #tpu.memory_space<vmem>>
      %dma_start3A_153 = tpu.memref_squeeze %dma_start3A_152 : memref<1x128xi32, #tpu.memory_space<vmem>> -> memref<128xi32, #tpu.memory_space<vmem>>
      %dma_start3A_154 = arith.constant 0 : i32
      %dma_start3A_155 = arith.constant 0 : i32
      %dma_start3A_156 = tpu.memref_slice %arg11[%dma_start3A_154, %dma_start3A_155] : memref<10240x128xf32, #tpu.memory_space<vmem_shared>> -> memref<10240x128xf32, #tpu.memory_space<vmem_shared>>
      tpu.enqueue_indirect_dma source(%arg9 : memref<128x128xf32, #tpu.memory_space<vmem>>) target(%dma_start3A_156 : memref<10240x128xf32, #tpu.memory_space<vmem_shared>>) offsets(%dma_start3A_153 : memref<128xi32, #tpu.memory_space<vmem>>) semaphore(%run_scoped3A_150 : memref<!tpu.dma_semaphore, #tpu.memory_space<semaphore_mem>>) {add = true}
      %dma_wait3A_157 = arith.constant 0 : i32
      %dma_wait3A_158 = tpu.memref_slice %arg8[%run_scoped3A, %dma_wait3A_157] : memref<2x128xi32, #tpu.memory_space<vmem>> -> memref<1x128xi32, #tpu.memory_space<vmem>>
      %dma_wait3A_159 = tpu.memref_squeeze %dma_wait3A_158 : memref<1x128xi32, #tpu.memory_space<vmem>> -> memref<128xi32, #tpu.memory_space<vmem>>
      %dma_wait3A_160 = arith.constant 0 : i32
      %dma_wait3A_161 = arith.constant 0 : i32
      %dma_wait3A_162 = tpu.memref_slice %arg11[%dma_wait3A_160, %dma_wait3A_161] : memref<10240x128xf32, #tpu.memory_space<vmem_shared>> -> memref<10240x128xf32, #tpu.memory_space<vmem_shared>>
      tpu.wait_indirect_dma semaphore(%run_scoped3A_150 : memref<!tpu.dma_semaphore, #tpu.memory_space<semaphore_mem>>) src(%arg9 : memref<128x128xf32, #tpu.memory_space<vmem>>) dst(%dma_wait3A_162 : memref<10240x128xf32, #tpu.memory_space<vmem_shared>>)
      tpu.yield
    }) : () -> ()
    %dma_wait3A_126 = arith.constant 1 : i32
    %dma_wait3A_127 = arith.constant 0 : i32
    %dma_wait3A_128 = tpu.memref_slice %arg7[%dma_wait3A_126, %dma_wait3A_127] : memref<2x128xi32, #tpu.memory_space<vmem>> -> memref<1x128xi32, #tpu.memory_space<vmem>>
    %dma_wait3A_129 = tpu.memref_squeeze %dma_wait3A_128 : memref<1x128xi32, #tpu.memory_space<vmem>> -> memref<128xi32, #tpu.memory_space<vmem>>
    %dma_wait3A_130 = arith.constant 0 : i32
    %dma_wait3A_131 = arith.constant 0 : i32
    %dma_wait3A_132 = tpu.memref_slice %arg2[%dma_wait3A_130, %dma_wait3A_131] : memref<10000x128xf32, #tpu.memory_space<hbm>> -> memref<10000x128xf32, #tpu.memory_space<hbm>>
    tpu.wait_indirect_dma semaphore(%arg17 : memref<!tpu.dma_semaphore, #tpu.memory_space<semaphore_mem>>) src(%dma_wait3A_132 : memref<10000x128xf32, #tpu.memory_space<hbm>>) dst(%arg10 : memref<128x128xf32, #tpu.memory_space<vmem>>)
    %add3A_133 = arith.constant 10112 : i32
    %add3A_134 = arith.addi %mul3A_24, %add3A_133 : i32
    %dma_wait3A_135 = arith.constant 1 : i32
    %dma_wait3A_136 = arith.constant 0 : i32
    %dma_wait3A_137 = tpu.memref_slice %arg8[%dma_wait3A_135, %dma_wait3A_136] : memref<2x128xi32, #tpu.memory_space<vmem>> -> memref<1x128xi32, #tpu.memory_space<vmem>>
    %dma_wait3A_138 = tpu.memref_squeeze %dma_wait3A_137 : memref<1x128xi32, #tpu.memory_space<vmem>> -> memref<128xi32, #tpu.memory_space<vmem>>
    %dma_wait3A_139 = tpu.memref_slice %arg4[%add3A_134] : memref<327680xi32, #tpu.memory_space<hbm>> -> memref<128xi32, #tpu.memory_space<hbm>>
    %dma_wait3A_140 = arith.constant 0 : i32
    %dma_wait3A_141 = tpu.memref_slice %arg8[%dma_wait3A_135, %dma_wait3A_140] : memref<2x128xi32, #tpu.memory_space<vmem>> -> memref<1x128xi32, #tpu.memory_space<vmem>>
    %dma_wait3A_142 = tpu.memref_squeeze %dma_wait3A_141 : memref<1x128xi32, #tpu.memory_space<vmem>> -> memref<128xi32, #tpu.memory_space<vmem>>
    %dma_wait3A_143 = tpu.memref_slice %arg4[%add3A_134] : memref<327680xi32, #tpu.memory_space<hbm>> -> memref<128xi32, #tpu.memory_space<hbm>>
    tpu.wait_dma2 semaphore(%arg15 : memref<!tpu.dma_semaphore, #tpu.memory_space<semaphore_mem>>) src(%dma_wait3A_143 : memref<128xi32, #tpu.memory_space<hbm>>) dst(%dma_wait3A_142 : memref<128xi32, #tpu.memory_space<vmem>>)
    %run_scoped3A_144 = arith.constant 1 : i32
    "tpu.region"() ({
      %run_scoped3A_150 = tpu.sem_alloc : memref<!tpu.dma_semaphore, #tpu.memory_space<semaphore_mem>>
      %dma_start3A_151 = arith.constant 0 : i32
      %dma_start3A_152 = tpu.memref_slice %arg8[%run_scoped3A_144, %dma_start3A_151] : memref<2x128xi32, #tpu.memory_space<vmem>> -> memref<1x128xi32, #tpu.memory_space<vmem>>
      %dma_start3A_153 = tpu.memref_squeeze %dma_start3A_152 : memref<1x128xi32, #tpu.memory_space<vmem>> -> memref<128xi32, #tpu.memory_space<vmem>>
      %dma_start3A_154 = arith.constant 0 : i32
      %dma_start3A_155 = arith.constant 0 : i32
      %dma_start3A_156 = tpu.memref_slice %arg11[%dma_start3A_154, %dma_start3A_155] : memref<10240x128xf32, #tpu.memory_space<vmem_shared>> -> memref<10240x128xf32, #tpu.memory_space<vmem_shared>>
      tpu.enqueue_indirect_dma source(%arg10 : memref<128x128xf32, #tpu.memory_space<vmem>>) target(%dma_start3A_156 : memref<10240x128xf32, #tpu.memory_space<vmem_shared>>) offsets(%dma_start3A_153 : memref<128xi32, #tpu.memory_space<vmem>>) semaphore(%run_scoped3A_150 : memref<!tpu.dma_semaphore, #tpu.memory_space<semaphore_mem>>) {add = true}
      %dma_wait3A_157 = arith.constant 0 : i32
      %dma_wait3A_158 = tpu.memref_slice %arg8[%run_scoped3A_144, %dma_wait3A_157] : memref<2x128xi32, #tpu.memory_space<vmem>> -> memref<1x128xi32, #tpu.memory_space<vmem>>
      %dma_wait3A_159 = tpu.memref_squeeze %dma_wait3A_158 : memref<1x128xi32, #tpu.memory_space<vmem>> -> memref<128xi32, #tpu.memory_space<vmem>>
      %dma_wait3A_160 = arith.constant 0 : i32
      %dma_wait3A_161 = arith.constant 0 : i32
      %dma_wait3A_162 = tpu.memref_slice %arg11[%dma_wait3A_160, %dma_wait3A_161] : memref<10240x128xf32, #tpu.memory_space<vmem_shared>> -> memref<10240x128xf32, #tpu.memory_space<vmem_shared>>
      tpu.wait_indirect_dma semaphore(%run_scoped3A_150 : memref<!tpu.dma_semaphore, #tpu.memory_space<semaphore_mem>>) src(%arg10 : memref<128x128xf32, #tpu.memory_space<vmem>>) dst(%dma_wait3A_162 : memref<10240x128xf32, #tpu.memory_space<vmem_shared>>)
      tpu.yield
    }) : () -> ()
    %barrier3A_145 = arith.constant 0 : index
    tpu.barrier barrier_id(%barrier3A_145)
    %mul3A_146 = arith.constant 640 : i32
    %mul3A_147 = arith.muli %arg1, %mul3A_146 : i32
    %mul3A_148 = arith.constant 640 : i32
    %mul3A_149 = arith.muli %arg1, %mul3A_148 : i32
    "tpu.region"() ({
      %run_scoped3A_150 = tpu.sem_alloc : memref<!tpu.dma_semaphore, #tpu.memory_space<semaphore_mem>>
      %dma_start3A_151 = arith.constant 0 : i32
      %dma_start3A_152 = tpu.memref_slice %arg6[%arg0, %mul3A_149, %dma_start3A_151] : memref<2x10240x128xf32, #tpu.memory_space<hbm>> -> memref<1x640x128xf32, #tpu.memory_space<hbm>>
      %dma_start3A_153 = tpu.memref_squeeze %dma_start3A_152 : memref<1x640x128xf32, #tpu.memory_space<hbm>> -> memref<640x128xf32, #tpu.memory_space<hbm>>
      %dma_start3A_154 = arith.constant 0 : i32
      %dma_start3A_155 = tpu.memref_slice %arg11[%mul3A_147, %dma_start3A_154] : memref<10240x128xf32, #tpu.memory_space<vmem_shared>> -> memref<640x128xf32, #tpu.memory_space<vmem_shared>>
      tpu.enqueue_dma source(%dma_start3A_155 : memref<640x128xf32, #tpu.memory_space<vmem_shared>>) target(%dma_start3A_153 : memref<640x128xf32, #tpu.memory_space<hbm>>) target_semaphore(%run_scoped3A_150 : memref<!tpu.dma_semaphore, #tpu.memory_space<semaphore_mem>>)
      %dma_wait3A_156 = arith.constant 0 : i32
      %dma_wait3A_157 = tpu.memref_slice %arg6[%arg0, %mul3A_149, %dma_wait3A_156] : memref<2x10240x128xf32, #tpu.memory_space<hbm>> -> memref<1x640x128xf32, #tpu.memory_space<hbm>>
      %dma_wait3A_158 = tpu.memref_squeeze %dma_wait3A_157 : memref<1x640x128xf32, #tpu.memory_space<hbm>> -> memref<640x128xf32, #tpu.memory_space<hbm>>
      %dma_wait3A_159 = arith.constant 0 : i32
      %dma_wait3A_160 = tpu.memref_slice %arg11[%mul3A_147, %dma_wait3A_159] : memref<10240x128xf32, #tpu.memory_space<vmem_shared>> -> memref<640x128xf32, #tpu.memory_space<vmem_shared>>
      tpu.wait_dma2 semaphore(%run_scoped3A_150 : memref<!tpu.dma_semaphore, #tpu.memory_space<semaphore_mem>>) src(%dma_wait3A_160 : memref<640x128xf32, #tpu.memory_space<vmem_shared>>) dst(%dma_wait3A_158 : memref<640x128xf32, #tpu.memory_space<hbm>>)
      tpu.yield
    }) : () -> ()
    return
  }
}

module attributes {stable_mosaic.version = 14 : i64} {
  func.func @_tc_scale(%arg0: memref<2x10240x16xf32, #tpu.memory_space<vmem>>, %arg1: memref<10000x128xf32, #tpu.memory_space<vmem>>, %arg2: memref<10000x128xf32, #tpu.memory_space<vmem>>, %arg3: memref<10000x16xf32, #tpu.memory_space<vmem>>) attributes {dimension_semantics = [], scalar_prefetch = 0 : i64, scratch_operands = 0 : i64, tpu.core_type = #tpu.core_type<tc>} {
    %get3A = arith.constant 0 : index
    %get3A_0 = arith.constant 0 : index
    %get3A_1 = arith.constant 0 : index
    %get3A_2 = vector.load %arg0[%get3A, %get3A_0, %get3A_1] : memref<2x10240x16xf32, #tpu.memory_space<vmem>>, vector<1x10000x1xf32>
    %get3A_3 = vector.shape_cast %get3A_2 : vector<1x10000x1xf32> to vector<10000x1xf32>
    %get3A_4 = arith.constant 1 : index
    %get3A_5 = arith.constant 0 : index
    %get3A_6 = arith.constant 0 : index
    %get3A_7 = vector.load %arg0[%get3A_4, %get3A_5, %get3A_6] : memref<2x10240x16xf32, #tpu.memory_space<vmem>>, vector<1x10000x1xf32>
    %get3A_8 = vector.shape_cast %get3A_7 : vector<1x10000x1xf32> to vector<10000x1xf32>
    %add3A = arith.addf %get3A_3, %get3A_8 : vector<10000x1xf32>
    %add3A_9 = arith.constant 1.000000e+00 : f32
    %add3A_10 = vector.broadcast %add3A_9 : f32 to vector<10000x1xf32>
    %add3A_11 = arith.addf %add3A, %add3A_10 : vector<10000x1xf32>
    %rsqrt3A = math.rsqrt %add3A_11 : vector<10000x1xf32>
    %get3A_12 = arith.constant 0 : index
    %get3A_13 = arith.constant 0 : index
    %get3A_14 = vector.load %arg1[%get3A_12, %get3A_13] : memref<10000x128xf32, #tpu.memory_space<vmem>>, vector<10000x128xf32>
    %mul3A = vector.broadcast %rsqrt3A : vector<10000x1xf32> to vector<10000x128xf32>
    %mul3A_15 = arith.mulf %get3A_14, %mul3A : vector<10000x128xf32>
    %swap3A = arith.constant 0 : index
    %swap3A_16 = arith.constant 0 : index
    %swap3A_17 = vector.load %arg2[%swap3A, %swap3A_16] : memref<10000x128xf32, #tpu.memory_space<vmem>>, vector<10000x128xf32>
    tpu.vector_store %arg2[%swap3A, %swap3A_16], %mul3A_15 {strides = array<i32>} : memref<10000x128xf32, #tpu.memory_space<vmem>>, vector<10000x128xf32>,
    %broadcast_in_dim3A = vector.shape_cast %rsqrt3A : vector<10000x1xf32> to vector<10000x1xf32>
    %broadcast_in_dim3A_18 = vector.broadcast %broadcast_in_dim3A : vector<10000x1xf32> to vector<10000x16xf32>
    %swap3A_19 = arith.constant 0 : index
    %swap3A_20 = arith.constant 0 : index
    %swap3A_21 = vector.load %arg3[%swap3A_19, %swap3A_20] : memref<10000x16xf32, #tpu.memory_space<vmem>>, vector<10000x16xf32>
    tpu.vector_store %arg3[%swap3A_19, %swap3A_20], %broadcast_in_dim3A_18 {strides = array<i32>} : memref<10000x16xf32, #tpu.memory_space<vmem>>, vector<10000x16xf32>,
    return
  }
}

module attributes {stable_mosaic.version = 14 : i64} {
  func.func @_tc_mid(%arg0: memref<2x10240x128xf32, #tpu.memory_space<vmem>>, %arg1: memref<10000x128xf32, #tpu.memory_space<vmem>>, %arg2: memref<10000x16xf32, #tpu.memory_space<vmem>>, %arg3: memref<128x128xf32, #tpu.memory_space<vmem>>, %arg4: memref<128xf32, #tpu.memory_space<vmem>>, %arg5: memref<128x16xf32, #tpu.memory_space<vmem>>, %arg6: memref<10000x16xf32, #tpu.memory_space<vmem>>) attributes {dimension_semantics = [], scalar_prefetch = 0 : i64, scratch_operands = 0 : i64, tpu.core_type = #tpu.core_type<tc>} {
    %get3A = arith.constant 0 : index
    %get3A_0 = arith.constant 0 : index
    %get3A_1 = arith.constant 0 : index
    %get3A_2 = vector.load %arg0[%get3A, %get3A_0, %get3A_1] : memref<2x10240x128xf32, #tpu.memory_space<vmem>>, vector<1x10000x128xf32>
    %get3A_3 = vector.shape_cast %get3A_2 : vector<1x10000x128xf32> to vector<10000x128xf32>
    %get3A_4 = arith.constant 1 : index
    %get3A_5 = arith.constant 0 : index
    %get3A_6 = arith.constant 0 : index
    %get3A_7 = vector.load %arg0[%get3A_4, %get3A_5, %get3A_6] : memref<2x10240x128xf32, #tpu.memory_space<vmem>>, vector<1x10000x128xf32>
    %get3A_8 = vector.shape_cast %get3A_7 : vector<1x10000x128xf32> to vector<10000x128xf32>
    %add3A = arith.addf %get3A_3, %get3A_8 : vector<10000x128xf32>
    %get3A_9 = arith.constant 0 : index
    %get3A_10 = arith.constant 0 : index
    %get3A_11 = vector.load %arg1[%get3A_9, %get3A_10] : memref<10000x128xf32, #tpu.memory_space<vmem>>, vector<10000x128xf32>
    %add3A_12 = arith.addf %add3A, %get3A_11 : vector<10000x128xf32>
    %get3A_13 = arith.constant 0 : index
    %get3A_14 = arith.constant 0 : index
    %get3A_15 = vector.load %arg2[%get3A_13, %get3A_14] : memref<10000x16xf32, #tpu.memory_space<vmem>>, vector<10000x1xf32>
    %get3A_16 = arith.constant 0 : index
    %get3A_17 = arith.constant 0 : index
    %get3A_18 = vector.load %arg3[%get3A_16, %get3A_17] : memref<128x128xf32, #tpu.memory_space<vmem>>, vector<128x128xf32>
    %dot_general3A = arith.constant dense<0.000000e+00> : vector<10000x128xf32>
    %dot_general3A_19 = tpu.matmul %add3A_12, %get3A_18, %dot_general3A {dimension_numbers = #tpu.dot_dimension_numbers<[1], [0], [0], [1], [0, 0, 1, 1], [], []>, transpose_lhs_hint = false} : vector<10000x128xf32>, vector<128x128xf32>, vector<10000x128xf32> -> vector<10000x128xf32>
    %mul3A = vector.broadcast %get3A_15 : vector<10000x1xf32> to vector<10000x128xf32>
    %mul3A_20 = arith.mulf %dot_general3A_19, %mul3A : vector<10000x128xf32>
    %get3A_21 = arith.constant 0 : index
    %get3A_22 = vector.load %arg4[%get3A_21] : memref<128xf32, #tpu.memory_space<vmem>>, vector<128xf32>
    %broadcast_in_dim3A = vector.shape_cast %get3A_22 : vector<128xf32> to vector<1x128xf32>
    %add3A_23 = vector.broadcast %broadcast_in_dim3A : vector<1x128xf32> to vector<10000x128xf32>
    %add3A_24 = arith.addf %mul3A_20, %add3A_23 : vector<10000x128xf32>
    %ge3A = arith.constant 0.000000e+00 : f32
    %ge3A_25 = vector.broadcast %ge3A : f32 to vector<10000x128xf32>
    %ge3A_26 = arith.cmpf oge, %add3A_24, %ge3A_25 : vector<10000x128xf32>
    %mul3A_27 = arith.constant 2.000000e-01 : f32
    %mul3A_28 = vector.broadcast %mul3A_27 : f32 to vector<10000x128xf32>
    %mul3A_29 = arith.mulf %mul3A_28, %add3A_24 : vector<10000x128xf32>
    %select_n3A = arith.select %ge3A_26, %add3A_24, %mul3A_29 : vector<10000x128xi1>, vector<10000x128xf32>
    %mul3A_30 = vector.broadcast %get3A_15 : vector<10000x1xf32> to vector<10000x128xf32>
    %mul3A_31 = arith.mulf %select_n3A, %mul3A_30 : vector<10000x128xf32>
    %get3A_32 = arith.constant 0 : index
    %get3A_33 = arith.constant 0 : index
    %get3A_34 = vector.load %arg5[%get3A_32, %get3A_33] : memref<128x16xf32, #tpu.memory_space<vmem>>, vector<128x16xf32>
    %dot_general3A_35 = arith.constant dense<0.000000e+00> : vector<10000x16xf32>
    %dot_general3A_36 = tpu.matmul %mul3A_31, %get3A_34, %dot_general3A_35 {dimension_numbers = #tpu.dot_dimension_numbers<[1], [0], [0], [1], [0, 0, 1, 1], [], []>, transpose_lhs_hint = false} : vector<10000x128xf32>, vector<128x16xf32>, vector<10000x16xf32> -> vector<10000x16xf32>
    %swap3A = arith.constant 0 : index
    %swap3A_37 = arith.constant 0 : index
    %swap3A_38 = vector.load %arg6[%swap3A, %swap3A_37] : memref<10000x16xf32, #tpu.memory_space<vmem>>, vector<10000x16xf32>
    tpu.vector_store %arg6[%swap3A, %swap3A_37], %dot_general3A_36 {strides = array<i32>} : memref<10000x16xf32, #tpu.memory_space<vmem>>, vector<10000x16xf32>,
    return
  }
}

module attributes {stable_mosaic.version = 14 : i64} {
  func.func @_tc_final(%arg0: memref<2x10240x16xf32, #tpu.memory_space<vmem>>, %arg1: memref<10000x16xf32, #tpu.memory_space<vmem>>, %arg2: memref<10000x16xf32, #tpu.memory_space<vmem>>, %arg3: memref<16xf32, #tpu.memory_space<vmem>>, %arg4: memref<10000x16xf32, #tpu.memory_space<vmem>>) attributes {dimension_semantics = [], scalar_prefetch = 0 : i64, scratch_operands = 0 : i64, tpu.core_type = #tpu.core_type<tc>} {
    %get3A = arith.constant 0 : index
    %get3A_0 = arith.constant 0 : index
    %get3A_1 = arith.constant 0 : index
    %get3A_2 = vector.load %arg0[%get3A, %get3A_0, %get3A_1] : memref<2x10240x16xf32, #tpu.memory_space<vmem>>, vector<1x10000x16xf32>
    %get3A_3 = vector.shape_cast %get3A_2 : vector<1x10000x16xf32> to vector<10000x16xf32>
    %get3A_4 = arith.constant 1 : index
    %get3A_5 = arith.constant 0 : index
    %get3A_6 = arith.constant 0 : index
    %get3A_7 = vector.load %arg0[%get3A_4, %get3A_5, %get3A_6] : memref<2x10240x16xf32, #tpu.memory_space<vmem>>, vector<1x10000x16xf32>
    %get3A_8 = vector.shape_cast %get3A_7 : vector<1x10000x16xf32> to vector<10000x16xf32>
    %add3A = arith.addf %get3A_3, %get3A_8 : vector<10000x16xf32>
    %get3A_9 = arith.constant 0 : index
    %get3A_10 = arith.constant 0 : index
    %get3A_11 = vector.load %arg1[%get3A_9, %get3A_10] : memref<10000x16xf32, #tpu.memory_space<vmem>>, vector<10000x16xf32>
    %add3A_12 = arith.addf %add3A, %get3A_11 : vector<10000x16xf32>
    %get3A_13 = arith.constant 0 : index
    %get3A_14 = arith.constant 0 : index
    %get3A_15 = vector.load %arg2[%get3A_13, %get3A_14] : memref<10000x16xf32, #tpu.memory_space<vmem>>, vector<10000x1xf32>
    %mul3A = vector.broadcast %get3A_15 : vector<10000x1xf32> to vector<10000x16xf32>
    %mul3A_16 = arith.mulf %add3A_12, %mul3A : vector<10000x16xf32>
    %get3A_17 = arith.constant 0 : index
    %get3A_18 = vector.load %arg3[%get3A_17] : memref<16xf32, #tpu.memory_space<vmem>>, vector<16xf32>
    %broadcast_in_dim3A = vector.shape_cast %get3A_18 : vector<16xf32> to vector<1x16xf32>
    %add3A_19 = vector.broadcast %broadcast_in_dim3A : vector<1x16xf32> to vector<10000x16xf32>
    %add3A_20 = arith.addf %mul3A_16, %add3A_19 : vector<10000x16xf32>
    %reduce_max3A = arith.constant dense<0xFF800000> : vector<10000xf32>
    %reduce_max3A_21 = vector.multi_reduction <maximumf>, %add3A_20, %reduce_max3A [1] : vector<10000x16xf32> to vector<10000xf32>
    %broadcast_in_dim3A_22 = vector.shape_cast %reduce_max3A_21 : vector<10000xf32> to vector<10000x1xf32>
    %sub3A = vector.broadcast %broadcast_in_dim3A_22 : vector<10000x1xf32> to vector<10000x16xf32>
    %sub3A_23 = arith.subf %add3A_20, %sub3A : vector<10000x16xf32>
    %exp3A = math.exp %sub3A_23 : vector<10000x16xf32>
    %reduce_sum3A = arith.constant dense<0.000000e+00> : vector<10000xf32>
    %reduce_sum3A_24 = vector.multi_reduction <add>, %exp3A, %reduce_sum3A [1] : vector<10000x16xf32> to vector<10000xf32>
    %broadcast_in_dim3A_25 = vector.shape_cast %reduce_sum3A_24 : vector<10000xf32> to vector<10000x1xf32>
    %log3A = math.log %broadcast_in_dim3A_25 : vector<10000x1xf32>
    %sub3A_26 = vector.broadcast %log3A : vector<10000x1xf32> to vector<10000x16xf32>
    %sub3A_27 = arith.subf %sub3A_23, %sub3A_26 : vector<10000x16xf32>
    %swap3A = arith.constant 0 : index
    %swap3A_28 = arith.constant 0 : index
    %swap3A_29 = vector.load %arg4[%swap3A, %swap3A_28] : memref<10000x16xf32, #tpu.memory_space<vmem>>, vector<10000x16xf32>
    tpu.vector_store %arg4[%swap3A, %swap3A_28], %sub3A_27 {strides = array<i32>} : memref<10000x16xf32, #tpu.memory_space<vmem>>, vector<10000x16xf32>,
    return
  }
}

</mosaic_0001>

<sc_bundles>
// kernel: kernel.11.cloned.1.call-start
scs
__scs_entry_jumppad:
0x0: {  	(pc) =	sbr.rel $0x88, $3  }
0x1: {  	(tag) =	ssettag $0x0;
	lr =	simm.s32 $0x1  }
0x2: {  	[smem:$0x3F9B] =	sst lr;
	_ =	strace $0xD0000000  }
0x3: {  	_ = 	snop  }
0x4: {  	_ = 	snop  }
0x5: {  	_ = 	snop  }
0x6: {  	_ = 	snop  }
0x7: {  	_ = 	snop  }
__scs_overlays_trampoline_lowered:
0x8: {  	[smem:$0x3FAA] =	sst s0  }
0x9: {  	[smem:$0x3FAB] =	sst s1  }
0xa: {  	[smem:$0x3FAC] =	sst s2  }
0xb: {  	[smem:$0x3FAD] =	sst s3  }
0xc: {  	[smem:$0x3FAE] =	sst s4  }
0xd: {  	[smem:$0x3FAF] =	sst s5  }
0xe: {  	[smem:$0x3FB0] =	sst s6  }
0xf: {  	[smem:$0x3FB1] =	sst s7  }
0x10: {  	[smem:$0x3FB2] =	sst s8  }
0x11: {  	[smem:$0x3FB3] =	sst s9;
	s0 =	simm.s32 @!p0 $0x0  }
0x12: {  	s1 =	sld [smem:$0x3F99];
	s0 =	simm.s32 @p0 $0x1  }
0x13: {  	[smem:$0x3FB4] =	sst s0;
	s0 =	simm.s32 @!p1 $0x0  }
0x14: {  	s2 =	sld [smem:$0x3F98];
	s0 =	simm.s32 @p1 $0x1  }
0x15: {  	[smem:$0x3FB5] =	sst s0;
	s0 =	simm.s32 @!p2 $0x0  }
0x16: {  	s3 =	sld [smem:$0x3FDB];
	s0 =	simm.s32 @p2 $0x1  }
0x17: {  	s4 =	simm.s32 $0x1BF5;
	[smem:$0x3FB7] =	sst s0  }
0x18: {  	s0 =	sld [smem:$0x3F9A];
	_ =	swait.ge [sflag:s4], $0x0  }
0x19: {  	s7 =	sld [smem:$0x3F9B]  }
0x1a: {  	s8 =	sadd.s32 $0xFFFFE003, lr  }
0x1b: {  	s9 =	sadd.s32 $0xFFFFFEF7, lr;
	s5 =	simm.s32 $0xFFFFFFFF;
	p2 =	slt.u32 s8, $0xFFFFF086  }
0x1c: {  	p1 =	slt.u32 s9, $0xF7A;
	s5 =	simm.s32 @!p2 $0x0  }
0x1d: {  	s5 =	simm.s32 @p1 $0x1;
	p0 =	seq.s32 s7, s2  }
0x1e: {  	s7 =	smul.u32 @!p0 $0xF7A, s2;
	p2 =	seq.s32 @!p0 s5, $0x0  }
0x1f: {  	s9 =	smul.u32 $0xF7A, s1;
	s8 =	simm.s32 @!p0 $0x1BF5;
	p2 =	por !p2, p0  }
0x20: {  	[sflag:s8] =	ssyncset.s32 @!p0 $0xFFFFF086;
	s6 =	sadd.s32 @!p0 s3, s7;
	s7 =	simm.s32 @!p0 $0x108  }
0x21: {  	s3 =	sadd.s32 s3, s9;
	s6 =	sadd.s32 @!p0 $0x88, s6;
	s7 =	simm.s32 @p2 $0x1082  }
0x22: {  	[simem:s7], [sflag:s8] =	dma.local @!p0 [hbm:s6], $0xF7A  }
0x23: {  	s9 =	sor.u32 $0xD0000000, s2;
	s6 =	simm.s32 $0x108;
	_ =	swait.ge @!p0 [sflag:s8], $0x0  }
0x24: {  	s3 =	sadd.s32 $0x88, s3;
	s6 =	simm.s32 @!p1 $0x1082;
	[sflag:s4] =	ssyncset.s32 $0xFFFFF086  }
0x25: {  	[simem:s6], [sflag:s4] =	dma.local [hbm:s3], $0xF7A  }
0x26: {  	[smem:$0x3F9B] =	sst s1;
	(tag) =	ssettag s2;
	_ =	strace s9  }
0x27: {  	s1 =	sld [smem:$0x3FAB]  }
0x28: {  	s2 =	sld [smem:$0x3FAC]  }
0x29: {  	s4 =	sld [smem:$0x3FAE]  }
0x2a: {  	p0 =	seq.s32 s5, $0x0;
	s5 =	sld [smem:$0x3FAF]  }
0x2b: {  	s6 =	sld [smem:$0x3FB0]  }
0x2c: {  	s7 =	sld [smem:$0x3FB1]  }
0x2d: {  	s3 =	simm.s32 $0x108;
	s8 =	sld [smem:$0x3FB2]  }
0x2e: {  	s3 =	simm.s32 @!p0 $0x1082;
	s9 =	sld [smem:$0x3FB3]  }
0x2f: {  	lr =	sadd.s32 s0, s3;
	s0 =	sld [smem:$0x3FAA]  }
0x30: {  	s3 =	sld [smem:$0x3FAD]  }
0x31: {  	[smem:$0x3FB6] =	sst s10  }
0x32: {  	s10 =	sld [smem:$0x3FB4];
	_ =	sdelay $0x3  }
0x33: {  	p0 =	seq.s32 s10, $0x1;
	s10 =	sld [smem:$0x3FB6];
	_ =	sdelay $0x3  }
0x34: {  	[smem:$0x3FB6] =	sst s10  }
0x35: {  	s10 =	sld [smem:$0x3FB5];
	_ =	sdelay $0x3  }
0x36: {  	p1 =	seq.s32 s10, $0x1;
	s10 =	sld [smem:$0x3FB6];
	_ =	sdelay $0x3  }
0x37: {  	[smem:$0x3FB6] =	sst s10  }
0x38: {  	s10 =	sld [smem:$0x3FB7]  }
0x39: {  	_ = 	snop;
	(pc) =	sbr.ind lr, $3  }
0x3a: {  	_ = 	snop  }
0x3b: {  	_ = 	snop  }
0x3c: {  	p2 =	seq.s32 s10, $0x1;
	s10 =	sld [smem:$0x3FB6]  }
0x3d: {  	_ =	shalt  }
0x3e: {  	_ =	shalt  }
0x3f: {  	_ =	shalt  }
0x40: {  	_ =	shalt  }
0x41: {  	_ =	shalt  }
0x42: {  	_ =	shalt  }
0x43: {  	_ =	shalt  }
0x44: {  	_ =	shalt  }
0x45: {  	_ =	shalt  }
0x46: {  	_ =	shalt  }
0x47: {  	_ =	shalt  }
0x48: {  	_ =	shalt  }
0x49: {  	_ =	shalt  }
0x4a: {  	_ =	shalt  }
0x4b: {  	_ =	shalt  }
0x4c: {  	_ =	shalt  }
0x4d: {  	_ =	shalt  }
0x4e: {  	_ =	shalt  }
0x4f: {  	_ =	shalt  }
0x50: {  	_ =	shalt  }
0x51: {  	_ =	shalt  }
0x52: {  	_ =	shalt  }
0x53: {  	_ =	shalt  }
0x54: {  	_ =	shalt  }
0x55: {  	_ =	shalt  }
0x56: {  	_ =	shalt  }
0x57: {  	_ =	shalt  }
0x58: {  	_ =	shalt  }
0x59: {  	_ =	shalt  }
0x5a: {  	_ =	shalt  }
0x5b: {  	_ =	shalt  }
0x5c: {  	_ =	shalt  }
0x5d: {  	_ =	shalt  }
0x5e: {  	_ =	shalt  }
0x5f: {  	_ =	shalt  }
0x60: {  	_ =	shalt  }
0x61: {  	_ =	shalt  }
0x62: {  	_ =	shalt  }
0x63: {  	_ =	shalt  }
0x64: {  	_ =	shalt  }
0x65: {  	_ =	shalt  }
0x66: {  	_ =	shalt  }
0x67: {  	_ =	shalt  }
0x68: {  	_ =	shalt  }
0x69: {  	_ =	shalt  }
0x6a: {  	_ =	shalt  }
0x6b: {  	_ =	shalt  }
0x6c: {  	_ =	shalt  }
0x6d: {  	_ =	shalt  }
0x6e: {  	_ =	shalt  }
0x6f: {  	_ =	shalt  }
0x70: {  	_ =	shalt  }
0x71: {  	_ =	shalt  }
0x72: {  	_ =	shalt  }
0x73: {  	_ =	shalt  }
0x74: {  	_ =	shalt  }
0x75: {  	_ =	shalt  }
0x76: {  	_ =	shalt  }
0x77: {  	_ =	shalt  }
0x78: {  	_ =	shalt  }
0x79: {  	_ =	shalt  }
0x7a: {  	_ =	shalt  }
0x7b: {  	_ =	shalt  }
0x7c: {  	_ =	shalt  }
0x7d: {  	_ =	shalt  }
0x7e: {  	_ =	shalt  }
0x7f: {  	_ =	shalt  }
0x80: {  	_ =	shalt  }
0x81: {  	_ =	shalt  }
0x82: {  	_ =	shalt  }
0x83: {  	_ =	shalt  }
0x84: {  	_ =	shalt  }
0x85: {  	_ =	shalt  }
0x86: {  	_ =	shalt  }
0x87: {  	_ =	shalt  }
.Lfunc_end0:
.L_simem_size_0:
called_computation.1_lowered:
.L_overlay_start_0:
0x88: {  	s2 =	sld [smem:$0x3FD9]  }
0x89: {  	s3 =	sld [smem:$0x3FFE];
	_ =	sdelay $0x1  }
0x8a: {  	s1 =	srdreg.scid  }
0x8b: {  	s0 =	sand.u32 $0x1, s1  }
0x8c: {  	s17 =	sshll.u32 s0, $0xA;
	s2 =	sadd.s32 s3, s2  }
0x8d: {  	s2 =	sadd.s32 s2, s17  }
0x8e: {  	[smem:$0x3FC2] =	sst s2  }
0x8f: {  	_ = 	snop  }
0x90: {  	s2 =	sld [smem:$0x3FD0];
	(tm) =	ssettm $0x1  }
0x91: {  	s18 =	sld [smem:$0x3FFB];
	_ =	sdelay $0x3  }
0x92: {  	_ =	strace s18  }
0x93: {  	s3 =	sld [smem:$0x3FFC];
	_ =	sdelay $0x3  }
0x94: {  	_ =	strace s3  }
0x95: {  	s3 =	sld [smem:$0x3FFD];
	_ =	sdelay $0x3  }
0x96: {  	_ =	strace s3  }
0x97: {  	_ =	strace $0x8FFFFFFF  }
0x98: {  	s19 =	sld [smem:$0x3FDB];
	_ =	sdelay $0x1  }
0x99: {  	s4 =	simm.s32 $_scs_section_size  }
0x9a: {  	s5 =	simm.s32 $_size__tile_overlayer_lowered;
	s6 =	simm.s32 $_tile_overlayer_lowered  }
0x9b: {  	s22 =	simm.s32 $0x1BFF;
	s21 =	sshll.u32 s6, $0x1;
	s3 =	sadd.s32 s4, s19  }
0x9c: {  	s7 =	simm.s32 $0x0;
	s20 =	sshll.u32 s5, $0x1;
	s5 =	sadd.s32 s21, s3  }
0x9d: {  	[timem:s7], [sflag:s22] =	dma.local [hbm:s5], s20  }
0x9e: {  	_ =	swait.ge [sflag:s22], s20  }
0x9f: {  	s4 =	ssub.s32 $0x0, s20;
	[sflag:s22] =	ssyncset.done $0x0  }
0xa0: {  	[sflag:s22] =	ssyncadd.s32 s4;
	_ =	sdelay $0x1  }
0xa1: {  	s23 =	simm.s32 $0x1B8B  }
0xa2: {  	_ =	swait.ge [sflag:s23], $0x1  }
0xa3: {  	[sflag:s23] =	ssyncset.done $0x0  }
0xa4: {  	s25 =	simm.s32 $0x1B8E;
	s24 =	sld [smem:$0x3FFE];
	[sflag:s23] =	ssyncadd.s32 $0xFFFFFFFF  }
0xa5: {  	s26 =	simm.s32 $execute0_lowered;
	[smem:$0x3FD2] =	sst s25  }
0xa6: {  	s5 =	sshll.u32 s26, $0x1;
	_ =	strace $0x80000049;
	[dreg:$0x1] =	wrdreg $0xFFFFFFFF  }
0xa7: {  	s28 =	simm.s32 $_size_execute0_lowered;
	s3 =	sadd.s32 s3, s5;
	[dreg:$0x0] =	wrdreg $0x0  }
0xa8: {  	s5 =	sshll.u32 s28, $0x1;
	[dreg:$0x2] =	wrdreg s3  }
0xa9: {  	[dreg:$0x3] =	wrdreg s5  }
0xaa: {  	[dreg:$0x4] =	wrdreg $0xC0  }
0xab: {  	_ =	task [dreg:s7], $0x5FFFF  }
0xac: {  	[dreg:$0x1] =	wrdreg $0xFFFFFFFF  }
0xad: {  	[dreg:$0x0] =	wrdreg $0x60  }
0xae: {  	[dreg:$0x2] =	wrdreg s24  }
0xaf: {  	[dreg:$0x3] =	wrdreg s2  }
0xb0: {  	[dreg:$0x4] =	wrdreg $0x82000  }
0xb1: {  	[dreg:$0x5] =	wrdreg $0x9  }
0xb2: {  	_ =	task.clear_ibuf [dreg:s7], $0x6FFFF;
	_ =	strace $0x90000049  }
0xb3: {  	s29 =	simm.s32 $0x9;
	_ =	strace $0x8000004B  }
0xb4: {  	_ =	swait.ge [sflag:s29], $0x1  }
0xb5: {  	[sflag:s29] =	ssyncadd.s32 $0xFFFFFFFF  }
0xb6: {  	_ =	strace $0x9000004B  }
0xb7: {  	_ =	sfence  }
0xb8: {  	s30 =	sld [smem:$0x0];
	_ =	sdelay $0x2  }
0xb9: {  	s31 =	sshll.u32 s1, $0xD;
	s1 =	sshrl.u32 s1, $0x2  }
0xba: {  	s3 =	sand.u32 $0x4000, s31;
	s1 =	sadd.s32 s1, s30  }
0xbb: {  	s0 =	sor.u32 s3, s0;
	s1 =	sshll.u32 s1, $0x11  }
0xbc: {  	s0 =	sor.u32 s1, s0  }
0xbd: {  	s0 =	sadd.s32 $0x8F2B, s0  }
0xbe: {  	[sflag:s0] =	ssyncadd.remote.s32 $0x1  }
0xbf: {  	_ =	sfence.sel $0xFFFF  }
0xc0: {  	[dreg:$0x0] =	wrdreg $0xFFFFFFFF;
	(pc) =	sbr.abs _section_cstart, $3  }
0xc1: {  	[dreg:$0x1] =	wrdreg $0xFFFFFFFF  }
0xc2: {  	_ =	task.clear_ibuf [dreg:s7], $0x2FFFF;
	_ =	strace $0x9FFFFFFF  }
0xc3: {  	(tm) =	ssettm $0x7FFFFFFF  }
tec
execute0_lowered:
.L_overlay_start_1:
0x0: {  	(tag) =	ssettag $0x1  }
0x1: {  	s0 =	rddreg [dreg:$0x0]  }
0x2: {  	s1 =	rddreg [dreg:$0x1]  }
0x3: {  	s2 =	rddreg [dreg:$0x2];
	s3 =	srdreg.scid;
	s4 =	simm.s32 $0x0  }
0x4: {  	s13 =	stileid.u32;
	s28 =	simm.s32 $0x180;
	s29 =	simm.s32 $0x2  }
0x5: {  	s30 =	simm.s32 $0x4200;
	s31 =	simm.s32 $0x5;
	s3 =	sand.u32 $0x1, s3  }
0x6: {  	[smem:$0x7FF] =	sst s4;
	s7 =	smul.u32 $0x14000, s13;
	s5 =	sadd.s32 $0x20200, s0  }
0x7: {  	s8 =	sadd.s32 $0x16200, s0;
	s9 =	smul.u32 $0x50000, s13;
	s10 =	sadd.s32 $0x2000, s0  }
0x8: {  	s19 =	sshll.u32 s13, $0x1;
	s22 =	sshll.u32 s13, $0x6;
	s13 =	smul.u32 $0x5000, s13  }
0x9: {  	s6 =	smul.u32 $0x140000, s3;
	_ =	strace $0x8000004A;
	s17 =	ssub.s32 $0x2, s3  }
0xa: {  	s21 =	sor.u32 s3, s19;
	s3 =	smul.u32 $0x2800, s3;
	s18 =	sshrl.u32 s17, $0x1  }
0xb: {  	s20 =	sshrl.u32 s9, $0x2;
	s9 =	smul.u32 $0x2800, s21;
	s6 =	sadd.s32 s7, s6  }
0xc: {  	s11 =	ssub.s32 s17, s18;
	s7 =	sor.u32 $0x1C07, s22;
	s3 =	sadd.s32 s3, s13  }
0xd: {  	s18 =	simm.s32 $0x7;
	s6 =	sshrl.u32 s6, $0x3;
	s9 =	sshrl.u32 s9, $0x3  }
0xe: {  	s25 =	sor.u32 $0x180, s3;
	s3 =	sor.u32 $0x100, s3;
	s26 =	smax.u32 s11, $0x1  }
0xf: {  	s0 =	sadd.s32 s6, s0;
	s6 =	sadd.s32 s20, s2;
	s14 =	sadd.s32 s8, s9  }
0x10: {  	s23 =	sadd.s32 s10, s9;
	s9 =	sor.u32 $0x10, s9;
	[dreg:$0x9] =	wrdreg s26  }
0x11: {  	s3 =	sshrl.u32 s3, $0x3;
	s26 =	simm.s32 $0x200;
	s12 =	sadd.s32 $0x4000, s6  }
0x12: {  	s20 =	sadd.s32 $0x8000, s6;
	s21 =	sadd.s32 $0xC000, s6;
	[dreg:$0x4] =	wrdreg s14  }
0x13: {  	s22 =	sadd.s32 $0x10000, s6;
	[dreg:$0x5] =	wrdreg s23;
	s24 =	sadd.s32 s8, s9  }
0x14: {  	s9 =	sadd.s32 s10, s9;
	s0 =	sadd.s32 $0x47400, s0;
	[dreg:$0x6] =	wrdreg s24  }
0x15: {  	s16 =	sadd.s32 s3, s10;
	s17 =	sadd.s32 s3, s8;
	[dreg:$0x7] =	wrdreg s9  }
0x16: {  	s23 =	simm.s32 $0x100;
	s3 =	simm.s32 $0x6;
	[dreg:$0x8] =	wrdreg s0  }
0x17: {  	s0 =	sshrl.u32 s25, $0x3;
	s19 =	sshrl.u32 s12, $0x3;
	s20 =	sshrl.u32 s20, $0x3  }
0x18: {  	s21 =	sshrl.u32 s21, $0x3;
	s22 =	sshrl.u32 s22, $0x3;
	s24 =	simm.s32 $0x1  }
0x19: {  	s25 =	simm.s32 $0x80;
	s9 =	simm.s32 $0x0;
	s14 =	sadd.s32 s0, s10  }
0x1a: {  	s15 =	sadd.s32 s0, s8;
	s0 =	simm.s32 $0x3;
	s8 =	simm.s32 $0x4  }
.LBB2_1:
0x1b: {  	s10 =	sshrl.u32 s6, $0x3  }
0x1c: {  	[spmem:s10], [sflag:s7] =	dma.local [hbm:s1], $0x800  }
0x1d: {  	_ =	swait.ge [sflag:s18], $0x800  }
0x1e: {  	[sflag:s18] =	ssyncset.done $0x0  }
0x1f: {  	[sflag:s18] =	ssyncadd.s32 $0xFFFFF800  }
0x20: {  	[spmem:s19], [sflag:s7] =	dma.local [hbm:s1], $0x800  }
0x21: {  	_ =	swait.ge [sflag:s18], $0x800  }
0x22: {  	[sflag:s18] =	ssyncset.done $0x0  }
0x23: {  	[sflag:s18] =	ssyncadd.s32 $0xFFFFF800  }
0x24: {  	[spmem:s20], [sflag:s7] =	dma.local [hbm:s1], $0x800  }
0x25: {  	_ =	swait.ge [sflag:s18], $0x800  }
0x26: {  	[sflag:s18] =	ssyncset.done $0x0  }
0x27: {  	[sflag:s18] =	ssyncadd.s32 $0xFFFFF800  }
0x28: {  	[spmem:s21], [sflag:s7] =	dma.local [hbm:s1], $0x800  }
0x29: {  	_ =	swait.ge [sflag:s18], $0x800  }
0x2a: {  	[sflag:s18] =	ssyncset.done $0x0  }
0x2b: {  	[sflag:s18] =	ssyncadd.s32 $0xFFFFF800  }
0x2c: {  	[spmem:s22], [sflag:s7] =	dma.local [hbm:s1], $0x800  }
0x2d: {  	_ =	swait.ge [sflag:s18], $0x800  }
0x2e: {  	[sflag:s18] =	ssyncset.done $0x0  }
0x2f: {  	[sflag:s18] =	ssyncadd.s32 $0xFFFFF800  }
0x30: {  	[bflag:$0x0] =	sbarrier.arrive $0xFFFF  }
0x31: {  	s11 =	rddreg [dreg:$0x4]  }
0x32: {  	[tilespmem:s4], [sflag:$0x1] =	stream.linear.gather [hbm4b:s11+s4], $0x80, $0x38;
	[tilespmem:$0x1C200] =	vst v63  }
0x33: {  	s12 =	rddreg [dreg:$0x5]  }
0x34: {  	[tilespmem:s23], [sflag:$0x3] =	stream.linear.gather [hbm4b:s12+s4], $0x80, $0x38;
	[tilespmem:$0x1C200] =	vst v63  }
0x35: {  	_ =	swait.ge [sflag:s24], $0x80  }
0x36: {  	[sflag:s24] =	ssyncset.done $0x0  }
0x37: {  	[sflag:s24] =	ssyncadd.s32 $0xFFFFFF80  }
0x38: {  	[tilespmem:s26], [sflag:$0x5] =	stream.indirect.gather [hbm4b:s5+s25], $0x80, s4, s25, $0xb8;
	[tilespmem:$0x1C200] =	vst v63  }
0x39: {  	s13 =	rddreg [dreg:$0x6]  }
0x3a: {  	[tilespmem:s25], [sflag:$0x2] =	stream.linear.gather [hbm4b:s13+s4], $0x80, $0x38;
	[tilespmem:$0x1C200] =	vst v63  }
0x3b: {  	s12 =	rddreg [dreg:$0x7]  }
0x3c: {  	[tilespmem:s28], [sflag:$0x4] =	stream.linear.gather [hbm4b:s12+s4], $0x80, $0x38;
	[tilespmem:$0x1C200] =	vst v63  }
0x3d: {  	_ =	swait.ge [sflag:s29], $0x80  }
0x3e: {  	[sflag:s29] =	ssyncset.done $0x0  }
0x3f: {  	[sflag:s29] =	ssyncadd.s32 $0xFFFFFF80  }
0x40: {  	[tilespmem:s30], [sflag:$0x6] =	stream.indirect.gather [hbm4b:s5+s25], $0x80, s25, s25, $0xb8;
	[tilespmem:$0x1C200] =	vst v63  }
0x41: {  	_ =	swait.ge [sflag:s31], $0x4000  }
0x42: {  	[sflag:s31] =	ssyncset.done $0x0  }
0x43: {  	s13 =	sadd.s32 $0x0, s17;
	[sflag:s31] =	ssyncadd.s32 $0xFFFFC000  }
0x44: {  	[tilespmem:s4], [sflag:$0x1] =	stream.linear.gather [hbm4b:s13+s4], $0x80, $0x38;
	[tilespmem:$0x1C200] =	vst v63  }
0x45: {  	_ =	swait.ge [sflag:s0], $0x80  }
0x46: {  	[sflag:s0] =	ssyncset.done $0x0  }
0x47: {  	[sflag:s0] =	ssyncadd.s32 $0xFFFFFF80  }
0x48: {  	[spmem:s2] =	stream.indirect.scatter.add.f32 [tilespmem:s26], [sflag:$0x7], $0x80, s23, s25, $0xb8;
	[tilespmem:$0x1C200] =	vst v63  }
0x49: {  	_ =	swait.ge [sflag:s18], $0x4000  }
0x4a: {  	[sflag:s18] =	ssyncset.done $0x0  }
0x4b: {  	s12 =	sadd.s32 $0x0, s16;
	[sflag:s18] =	ssyncadd.s32 $0xFFFFC000  }
0x4c: {  	[tilespmem:s23], [sflag:$0x3] =	stream.linear.gather [hbm4b:s12+s4], $0x80, $0x38;
	[tilespmem:$0x1C200] =	vst v63  }
0x4d: {  	_ =	swait.ge [sflag:s24], $0x80  }
0x4e: {  	[sflag:s24] =	ssyncset.done $0x0  }
0x4f: {  	[sflag:s24] =	ssyncadd.s32 $0xFFFFFF80  }
0x50: {  	[tilespmem:s26], [sflag:$0x5] =	stream.indirect.gather [hbm4b:s5+s25], $0x80, s4, s25, $0xb8;
	[tilespmem:$0x1C200] =	vst v63  }
0x51: {  	_ =	swait.ge [sflag:s3], $0x4000  }
0x52: {  	[sflag:s3] =	ssyncset.done $0x0  }
0x53: {  	s13 =	sadd.s32 $0x0, s15;
	[sflag:s3] =	ssyncadd.s32 $0xFFFFC000  }
0x54: {  	[tilespmem:s25], [sflag:$0x2] =	stream.linear.gather [hbm4b:s13+s4], $0x80, $0x38;
	[tilespmem:$0x1C200] =	vst v63  }
0x55: {  	_ =	swait.ge [sflag:s8], $0x80  }
0x56: {  	[sflag:s8] =	ssyncset.done $0x0  }
0x57: {  	[sflag:s8] =	ssyncadd.s32 $0xFFFFFF80  }
0x58: {  	[spmem:s2] =	stream.indirect.scatter.add.f32 [tilespmem:s30], [sflag:$0x7], $0x80, s28, s25, $0xb8;
	[tilespmem:$0x1C200] =	vst v63  }
0x59: {  	_ =	swait.ge [sflag:s18], $0x4000  }
0x5a: {  	[sflag:s18] =	ssyncset.done $0x0  }
0x5b: {  	s11 =	simm.s32 $0x20;
	s12 =	sadd.s32 $0x0, s14;
	[sflag:s18] =	ssyncadd.s32 $0xFFFFC000  }
.LBB2_2:
0x5c: {  	[tilespmem:s28], [sflag:$0x4] =	stream.linear.gather [hbm4b:s12+s4], $0x80, $0x38;
	[tilespmem:$0x1C200] =	vst v63  }
0x5d: {  	s12 =	smov.u32 s11  }
0x5e: {  	p0 =	sne.s32 s11, $0x4C0;
	s11 =	sadd.s32 $0x20, s11;
	_ =	swait.ge [sflag:s29], $0x80  }
0x5f: {  	[sflag:s29] =	ssyncset.done $0x0  }
0x60: {  	[sflag:s29] =	ssyncadd.s32 $0xFFFFFF80  }
0x61: {  	[tilespmem:s30], [sflag:$0x6] =	stream.indirect.gather [hbm4b:s5+s25], $0x80, s25, s25, $0xb8;
	[tilespmem:$0x1C200] =	vst v63  }
0x62: {  	_ =	swait.ge [sflag:s31], $0x4000  }
0x63: {  	[sflag:s31] =	ssyncset.done $0x0  }
0x64: {  	s13 =	sadd.s32 s12, s17;
	[sflag:s31] =	ssyncadd.s32 $0xFFFFC000  }
0x65: {  	[tilespmem:s4], [sflag:$0x1] =	stream.linear.gather [hbm4b:s13+s4], $0x80, $0x38;
	[tilespmem:$0x1C200] =	vst v63  }
0x66: {  	_ =	swait.ge [sflag:s0], $0x80  }
0x67: {  	[sflag:s0] =	ssyncset.done $0x0  }
0x68: {  	[sflag:s0] =	ssyncadd.s32 $0xFFFFFF80  }
0x69: {  	[spmem:s2] =	stream.indirect.scatter.add.f32 [tilespmem:s26], [sflag:$0x7], $0x80, s23, s25, $0xb8;
	[tilespmem:$0x1C200] =	vst v63  }
0x6a: {  	_ =	swait.ge [sflag:s18], $0x4000  }
0x6b: {  	[sflag:s18] =	ssyncset.done $0x0  }
0x6c: {  	s13 =	sadd.s32 s12, s16;
	[sflag:s18] =	ssyncadd.s32 $0xFFFFC000  }
0x6d: {  	[tilespmem:s23], [sflag:$0x3] =	stream.linear.gather [hbm4b:s13+s4], $0x80, $0x38;
	[tilespmem:$0x1C200] =	vst v63  }
0x6e: {  	_ =	swait.ge [sflag:s24], $0x80  }
0x6f: {  	[sflag:s24] =	ssyncset.done $0x0  }
0x70: {  	[sflag:s24] =	ssyncadd.s32 $0xFFFFFF80  }
0x71: {  	[tilespmem:s26], [sflag:$0x5] =	stream.indirect.gather [hbm4b:s5+s25], $0x80, s4, s25, $0xb8;
	[tilespmem:$0x1C200] =	vst v63  }
0x72: {  	_ =	swait.ge [sflag:s3], $0x4000  }
0x73: {  	[sflag:s3] =	ssyncset.done $0x0  }
0x74: {  	s13 =	sadd.s32 s12, s15;
	[sflag:s3] =	ssyncadd.s32 $0xFFFFC000  }
0x75: {  	[tilespmem:s25], [sflag:$0x2] =	stream.linear.gather [hbm4b:s13+s4], $0x80, $0x38;
	[tilespmem:$0x1C200] =	vst v63  }
0x76: {  	_ =	swait.ge [sflag:s8], $0x80  }
0x77: {  	[sflag:s8] =	ssyncset.done $0x0  }
.Ltmp0:
0x78: {  	[sflag:s8] =	ssyncadd.s32 $0xFFFFFF80;
	(pc) =	sbr.rel @p0 .LBB2_2-.Ltmp0, $4  }
0x79: {  	[spmem:s2] =	stream.indirect.scatter.add.f32 [tilespmem:s30], [sflag:$0x7], $0x80, s28, s25, $0xb8;
	[tilespmem:$0x1C200] =	vst v63  }
0x7a: {  	_ =	swait.ge [sflag:s18], $0x4000  }
0x7b: {  	[sflag:s18] =	ssyncset.done $0x0  }
0x7c: {  	s12 =	sadd.s32 s12, s14;
	[sflag:s18] =	ssyncadd.s32 $0xFFFFC000  }
0x7d: {  	[tilespmem:s28], [sflag:$0x4] =	stream.linear.gather [hbm4b:s12+s4], $0x80, $0x38;
	[tilespmem:$0x1C200] =	vst v63  }
0x7e: {  	_ =	swait.ge [sflag:s29], $0x80  }
0x7f: {  	[sflag:s29] =	ssyncset.done $0x0  }
0x80: {  	[sflag:s29] =	ssyncadd.s32 $0xFFFFFF80  }
0x81: {  	[tilespmem:s30], [sflag:$0x6] =	stream.indirect.gather [hbm4b:s5+s25], $0x80, s25, s25, $0xb8;
	[tilespmem:$0x1C200] =	vst v63  }
0x82: {  	_ =	swait.ge [sflag:s31], $0x4000  }
0x83: {  	[sflag:s31] =	ssyncset.done $0x0  }
0x84: {  	[sflag:s31] =	ssyncadd.s32 $0xFFFFC000  }
0x85: {  	_ =	swait.ge [sflag:s0], $0x80  }
0x86: {  	[sflag:s0] =	ssyncset.done $0x0  }
0x87: {  	[sflag:s0] =	ssyncadd.s32 $0xFFFFFF80  }
0x88: {  	[spmem:s2] =	stream.indirect.scatter.add.f32 [tilespmem:s26], [sflag:$0x7], $0x80, s23, s25, $0xb8;
	[tilespmem:$0x1C200] =	vst v63  }
0x89: {  	_ =	swait.ge [sflag:s18], $0x4000  }
0x8a: {  	[sflag:s18] =	ssyncset.done $0x0  }
0x8b: {  	[sflag:s18] =	ssyncadd.s32 $0xFFFFC000  }
0x8c: {  	_ =	swait.ge [sflag:s3], $0x4000  }
0x8d: {  	[sflag:s3] =	ssyncset.done $0x0  }
0x8e: {  	[sflag:s3] =	ssyncadd.s32 $0xFFFFC000  }
0x8f: {  	_ =	swait.ge [sflag:s8], $0x80  }
0x90: {  	[sflag:s8] =	ssyncset.done $0x0  }
0x91: {  	[sflag:s8] =	ssyncadd.s32 $0xFFFFFF80  }
0x92: {  	[spmem:s2] =	stream.indirect.scatter.add.f32 [tilespmem:s30], [sflag:$0x7], $0x80, s28, s25, $0xb8;
	[tilespmem:$0x1C200] =	vst v63  }
0x93: {  	_ =	swait.ge [sflag:s18], $0x4000  }
0x94: {  	[sflag:s18] =	ssyncset.done $0x0  }
0x95: {  	[sflag:s18] =	ssyncadd.s32 $0xFFFFC000  }
0x96: {  	[bflag:$0x0] =	sbarrier.arrive $0xFFFF  }
0x97: {  	s11 =	rddreg [dreg:$0x8]  }
0x98: {  	[hbm:s11], [sflag:s7] =	dma.local [spmem:s10], $0x2800  }
0x99: {  	_ =	swait.ge [sflag:s18], $0x2800  }
0x9a: {  	s9 =	sadd.s32 $0x1, s9;
	s13 =	rddreg [dreg:$0x9]  }
0x9b: {  	p0 =	sne.s32 s9, s13  }
.Ltmp1:
0x9c: {  	_ = 	snop;
	(pc) =	sbr.rel @p0 .LBB2_1-.Ltmp1, $3  }
0x9d: {  	_ =	sdelay $0x1  }
0x9e: {  	[sflag:s18] =	ssyncset.done $0x0  }
0x9f: {  	[sflag:s18] =	ssyncadd.s32 $0xFFFFD800  }
0xa0: {  	_ =	sfence.sel $0x180000  }
0xa1: {  	[bflag:$0x0] =	sbarrier.arrive $0xFFFF  }
0xa2: {  	_ =	strace $0x9000004A  }
0xa3: {  	s0 =	stileid.u32;
	[bflag:$0x2] =	sbarrier.arrive $0xFFFF  }
0xa4: {  	p0 =	sne.s32 s0, $0x0;
	s0 =	rddreg [dreg:$0x3]  }
0xa5: {  	s0 =	sadd.s32 @!p0 $0x100000, s0  }
0xa6: {  	[sflag:s0] =	ssyncadd.tile.s32 @!p0 $0x1;
	_ =	shalt  }
.Lfunc_end2:
_tile_overlayer_lowered:
.L_overlay_start_2:
0xa7: {  	(tag) =	ssettag $0x2  }
0xa8: {  	s0 =	rddreg [dreg:$0x0];
	s2 =	stileid.u32  }
0xa9: {  	s1 =	rddreg [dreg:$0x1];
	p0 =	sne.s32 s2, $0x0  }
0xaa: {  	s3 =	rddreg [dreg:$0x2];
	[bflag:$0x3] =	sbarrier.arrive $0xFFFF;
	s2 =	simm.s32 @!p0 $0x1C07  }
0xab: {  	[timem:s3], [sflag:s2] =	dma.local @!p0 [hbm:s0], s1  }
0xac: {  	s0 =	simm.s32 @!p0 $0x7  }
0xad: {  	_ =	swait.ge @!p0 [sflag:s0], s1  }
0xae: {  	s1 =	ssub.s32 @!p0 $0x0, s1;
	[sflag:s0] =	ssyncset.done @!p0 $0x0  }
0xaf: {  	[sflag:s0] =	ssyncadd.s32 @!p0 s1  }
0xb0: {  	[bflag:$0x3] =	sbarrier.arrive $0xFFFF  }
0xb1: {  	_ =	shalt  }

// kernel: kernel.14.cloned.1.call-start
scs
__scs_entry_jumppad:
0x0: {  	(pc) =	sbr.rel $0x88, $3  }
0x1: {  	(tag) =	ssettag $0x0;
	lr =	simm.s32 $0x1  }
0x2: {  	[smem:$0x3F9B] =	sst lr;
	_ =	strace $0xD0000000  }
0x3: {  	_ = 	snop  }
0x4: {  	_ = 	snop  }
0x5: {  	_ = 	snop  }
0x6: {  	_ = 	snop  }
0x7: {  	_ = 	snop  }
__scs_overlays_trampoline_lowered:
0x8: {  	[smem:$0x3FAA] =	sst s0  }
0x9: {  	[smem:$0x3FAB] =	sst s1  }
0xa: {  	[smem:$0x3FAC] =	sst s2  }
0xb: {  	[smem:$0x3FAD] =	sst s3  }
0xc: {  	[smem:$0x3FAE] =	sst s4  }
0xd: {  	[smem:$0x3FAF] =	sst s5  }
0xe: {  	[smem:$0x3FB0] =	sst s6  }
0xf: {  	[smem:$0x3FB1] =	sst s7  }
0x10: {  	[smem:$0x3FB2] =	sst s8  }
0x11: {  	[smem:$0x3FB3] =	sst s9;
	s0 =	simm.s32 @!p0 $0x0  }
0x12: {  	s1 =	sld [smem:$0x3F99];
	s0 =	simm.s32 @p0 $0x1  }
0x13: {  	[smem:$0x3FB4] =	sst s0;
	s0 =	simm.s32 @!p1 $0x0  }
0x14: {  	s2 =	sld [smem:$0x3F98];
	s0 =	simm.s32 @p1 $0x1  }
0x15: {  	[smem:$0x3FB5] =	sst s0;
	s0 =	simm.s32 @!p2 $0x0  }
0x16: {  	s3 =	sld [smem:$0x3FDB];
	s0 =	simm.s32 @p2 $0x1  }
0x17: {  	s4 =	simm.s32 $0x1BF5;
	[smem:$0x3FB7] =	sst s0  }
0x18: {  	s0 =	sld [smem:$0x3F9A];
	_ =	swait.ge [sflag:s4], $0x0  }
0x19: {  	s7 =	sld [smem:$0x3F9B]  }
0x1a: {  	s8 =	sadd.s32 $0xFFFFE003, lr  }
0x1b: {  	s9 =	sadd.s32 $0xFFFFFEF7, lr;
	s5 =	simm.s32 $0xFFFFFFFF;
	p2 =	slt.u32 s8, $0xFFFFF086  }
0x1c: {  	p1 =	slt.u32 s9, $0xF7A;
	s5 =	simm.s32 @!p2 $0x0  }
0x1d: {  	s5 =	simm.s32 @p1 $0x1;
	p0 =	seq.s32 s7, s2  }
0x1e: {  	s7 =	smul.u32 @!p0 $0xF7A, s2;
	p2 =	seq.s32 @!p0 s5, $0x0  }
0x1f: {  	s9 =	smul.u32 $0xF7A, s1;
	s8 =	simm.s32 @!p0 $0x1BF5;
	p2 =	por !p2, p0  }
0x20: {  	[sflag:s8] =	ssyncset.s32 @!p0 $0xFFFFF086;
	s6 =	sadd.s32 @!p0 s3, s7;
	s7 =	simm.s32 @!p0 $0x108  }
0x21: {  	s3 =	sadd.s32 s3, s9;
	s6 =	sadd.s32 @!p0 $0x88, s6;
	s7 =	simm.s32 @p2 $0x1082  }
0x22: {  	[simem:s7], [sflag:s8] =	dma.local @!p0 [hbm:s6], $0xF7A  }
0x23: {  	s9 =	sor.u32 $0xD0000000, s2;
	s6 =	simm.s32 $0x108;
	_ =	swait.ge @!p0 [sflag:s8], $0x0  }
0x24: {  	s3 =	sadd.s32 $0x88, s3;
	s6 =	simm.s32 @!p1 $0x1082;
	[sflag:s4] =	ssyncset.s32 $0xFFFFF086  }
0x25: {  	[simem:s6], [sflag:s4] =	dma.local [hbm:s3], $0xF7A  }
0x26: {  	[smem:$0x3F9B] =	sst s1;
	(tag) =	ssettag s2;
	_ =	strace s9  }
0x27: {  	s1 =	sld [smem:$0x3FAB]  }
0x28: {  	s2 =	sld [smem:$0x3FAC]  }
0x29: {  	s4 =	sld [smem:$0x3FAE]  }
0x2a: {  	p0 =	seq.s32 s5, $0x0;
	s5 =	sld [smem:$0x3FAF]  }
0x2b: {  	s6 =	sld [smem:$0x3FB0]  }
0x2c: {  	s7 =	sld [smem:$0x3FB1]  }
0x2d: {  	s3 =	simm.s32 $0x108;
	s8 =	sld [smem:$0x3FB2]  }
0x2e: {  	s3 =	simm.s32 @!p0 $0x1082;
	s9 =	sld [smem:$0x3FB3]  }
0x2f: {  	lr =	sadd.s32 s0, s3;
	s0 =	sld [smem:$0x3FAA]  }
0x30: {  	s3 =	sld [smem:$0x3FAD]  }
0x31: {  	[smem:$0x3FB6] =	sst s10  }
0x32: {  	s10 =	sld [smem:$0x3FB4];
	_ =	sdelay $0x3  }
0x33: {  	p0 =	seq.s32 s10, $0x1;
	s10 =	sld [smem:$0x3FB6];
	_ =	sdelay $0x3  }
0x34: {  	[smem:$0x3FB6] =	sst s10  }
0x35: {  	s10 =	sld [smem:$0x3FB5];
	_ =	sdelay $0x3  }
0x36: {  	p1 =	seq.s32 s10, $0x1;
	s10 =	sld [smem:$0x3FB6];
	_ =	sdelay $0x3  }
0x37: {  	[smem:$0x3FB6] =	sst s10  }
0x38: {  	s10 =	sld [smem:$0x3FB7]  }
0x39: {  	_ = 	snop;
	(pc) =	sbr.ind lr, $3  }
0x3a: {  	_ = 	snop  }
0x3b: {  	_ = 	snop  }
0x3c: {  	p2 =	seq.s32 s10, $0x1;
	s10 =	sld [smem:$0x3FB6]  }
0x3d: {  	_ =	shalt  }
0x3e: {  	_ =	shalt  }
0x3f: {  	_ =	shalt  }
0x40: {  	_ =	shalt  }
0x41: {  	_ =	shalt  }
0x42: {  	_ =	shalt  }
0x43: {  	_ =	shalt  }
0x44: {  	_ =	shalt  }
0x45: {  	_ =	shalt  }
0x46: {  	_ =	shalt  }
0x47: {  	_ =	shalt  }
0x48: {  	_ =	shalt  }
0x49: {  	_ =	shalt  }
0x4a: {  	_ =	shalt  }
0x4b: {  	_ =	shalt  }
0x4c: {  	_ =	shalt  }
0x4d: {  	_ =	shalt  }
0x4e: {  	_ =	shalt  }
0x4f: {  	_ =	shalt  }
0x50: {  	_ =	shalt  }
0x51: {  	_ =	shalt  }
0x52: {  	_ =	shalt  }
0x53: {  	_ =	shalt  }
0x54: {  	_ =	shalt  }
0x55: {  	_ =	shalt  }
0x56: {  	_ =	shalt  }
0x57: {  	_ =	shalt  }
0x58: {  	_ =	shalt  }
0x59: {  	_ =	shalt  }
0x5a: {  	_ =	shalt  }
0x5b: {  	_ =	shalt  }
0x5c: {  	_ =	shalt  }
0x5d: {  	_ =	shalt  }
0x5e: {  	_ =	shalt  }
0x5f: {  	_ =	shalt  }
0x60: {  	_ =	shalt  }
0x61: {  	_ =	shalt  }
0x62: {  	_ =	shalt  }
0x63: {  	_ =	shalt  }
0x64: {  	_ =	shalt  }
0x65: {  	_ =	shalt  }
0x66: {  	_ =	shalt  }
0x67: {  	_ =	shalt  }
0x68: {  	_ =	shalt  }
0x69: {  	_ =	shalt  }
0x6a: {  	_ =	shalt  }
0x6b: {  	_ =	shalt  }
0x6c: {  	_ =	shalt  }
0x6d: {  	_ =	shalt  }
0x6e: {  	_ =	shalt  }
0x6f: {  	_ =	shalt  }
0x70: {  	_ =	shalt  }
0x71: {  	_ =	shalt  }
0x72: {  	_ =	shalt  }
0x73: {  	_ =	shalt  }
0x74: {  	_ =	shalt  }
0x75: {  	_ =	shalt  }
0x76: {  	_ =	shalt  }
0x77: {  	_ =	shalt  }
0x78: {  	_ =	shalt  }
0x79: {  	_ =	shalt  }
0x7a: {  	_ =	shalt  }
0x7b: {  	_ =	shalt  }
0x7c: {  	_ =	shalt  }
0x7d: {  	_ =	shalt  }
0x7e: {  	_ =	shalt  }
0x7f: {  	_ =	shalt  }
0x80: {  	_ =	shalt  }
0x81: {  	_ =	shalt  }
0x82: {  	_ =	shalt  }
0x83: {  	_ =	shalt  }
0x84: {  	_ =	shalt  }
0x85: {  	_ =	shalt  }
0x86: {  	_ =	shalt  }
0x87: {  	_ =	shalt  }
.Lfunc_end0:
.L_simem_size_0:
called_computation.2_lowered:
.L_overlay_start_0:
0x88: {  	s2 =	sld [smem:$0x3FD9]  }
0x89: {  	s3 =	sld [smem:$0x3FFE];
	_ =	sdelay $0x1  }
0x8a: {  	s1 =	srdreg.scid  }
0x8b: {  	s0 =	sand.u32 $0x1, s1  }
0x8c: {  	s17 =	sshll.u32 s0, $0xA;
	s2 =	sadd.s32 s3, s2  }
0x8d: {  	s2 =	sadd.s32 s2, s17  }
0x8e: {  	[smem:$0x3FC2] =	sst s2  }
0x8f: {  	_ = 	snop  }
0x90: {  	s2 =	sld [smem:$0x3FD0];
	(tm) =	ssettm $0x1  }
0x91: {  	s18 =	sld [smem:$0x3FFB];
	_ =	sdelay $0x3  }
0x92: {  	_ =	strace s18  }
0x93: {  	s3 =	sld [smem:$0x3FFC];
	_ =	sdelay $0x3  }
0x94: {  	_ =	strace s3  }
0x95: {  	s3 =	sld [smem:$0x3FFD];
	_ =	sdelay $0x3  }
0x96: {  	_ =	strace s3  }
0x97: {  	_ =	strace $0x8FFFFFFF  }
0x98: {  	s19 =	sld [smem:$0x3FDB];
	_ =	sdelay $0x1  }
0x99: {  	s4 =	simm.s32 $_scs_section_size  }
0x9a: {  	s5 =	simm.s32 $_size__tile_overlayer_lowered;
	s6 =	simm.s32 $_tile_overlayer_lowered  }
0x9b: {  	s22 =	simm.s32 $0x1BFF;
	s21 =	sshll.u32 s6, $0x1;
	s3 =	sadd.s32 s4, s19  }
0x9c: {  	s7 =	simm.s32 $0x0;
	s20 =	sshll.u32 s5, $0x1;
	s5 =	sadd.s32 s21, s3  }
0x9d: {  	[timem:s7], [sflag:s22] =	dma.local [hbm:s5], s20  }
0x9e: {  	_ =	swait.ge [sflag:s22], s20  }
0x9f: {  	s4 =	ssub.s32 $0x0, s20;
	[sflag:s22] =	ssyncset.done $0x0  }
0xa0: {  	[sflag:s22] =	ssyncadd.s32 s4;
	_ =	sdelay $0x1  }
0xa1: {  	s23 =	simm.s32 $0x1B8B  }
0xa2: {  	_ =	swait.ge [sflag:s23], $0x1  }
0xa3: {  	[sflag:s23] =	ssyncset.done $0x0  }
0xa4: {  	s25 =	simm.s32 $0x1B8E;
	s24 =	sld [smem:$0x3FFE];
	[sflag:s23] =	ssyncadd.s32 $0xFFFFFFFF  }
0xa5: {  	s26 =	simm.s32 $execute0_lowered;
	[smem:$0x3FD2] =	sst s25  }
0xa6: {  	s5 =	sshll.u32 s26, $0x1;
	_ =	strace $0x8000004C;
	[dreg:$0x1] =	wrdreg $0xFFFFFFFF  }
0xa7: {  	s28 =	simm.s32 $_size_execute0_lowered;
	s3 =	sadd.s32 s3, s5;
	[dreg:$0x0] =	wrdreg $0x0  }
0xa8: {  	s5 =	sshll.u32 s28, $0x1;
	[dreg:$0x2] =	wrdreg s3  }
0xa9: {  	[dreg:$0x3] =	wrdreg s5  }
0xaa: {  	[dreg:$0x4] =	wrdreg $0xC0  }
0xab: {  	_ =	task [dreg:s7], $0x5FFFF  }
0xac: {  	[dreg:$0x1] =	wrdreg $0xFFFFFFFF  }
0xad: {  	[dreg:$0x0] =	wrdreg $0x60  }
0xae: {  	[dreg:$0x2] =	wrdreg s2  }
0xaf: {  	[dreg:$0x3] =	wrdreg s24  }
0xb0: {  	[dreg:$0x4] =	wrdreg $0x12000  }
0xb1: {  	[dreg:$0x5] =	wrdreg $0x9  }
0xb2: {  	_ =	task.clear_ibuf [dreg:s7], $0x6FFFF;
	_ =	strace $0x9000004C  }
0xb3: {  	s29 =	simm.s32 $0x9;
	_ =	strace $0x8000004E  }
0xb4: {  	_ =	swait.ge [sflag:s29], $0x1  }
0xb5: {  	[sflag:s29] =	ssyncadd.s32 $0xFFFFFFFF  }
0xb6: {  	_ =	strace $0x9000004E  }
0xb7: {  	_ =	sfence  }
0xb8: {  	s30 =	sld [smem:$0x0];
	_ =	sdelay $0x2  }
0xb9: {  	s31 =	sshll.u32 s1, $0xD;
	s1 =	sshrl.u32 s1, $0x2  }
0xba: {  	s3 =	sand.u32 $0x4000, s31;
	s1 =	sadd.s32 s1, s30  }
0xbb: {  	s0 =	sor.u32 s3, s0;
	s1 =	sshll.u32 s1, $0x11  }
0xbc: {  	s0 =	sor.u32 s1, s0  }
0xbd: {  	s0 =	sadd.s32 $0x8F2B, s0  }
0xbe: {  	[sflag:s0] =	ssyncadd.remote.s32 $0x1  }
0xbf: {  	_ =	sfence.sel $0xFFFF  }
0xc0: {  	[dreg:$0x0] =	wrdreg $0xFFFFFFFF;
	(pc) =	sbr.abs _section_cstart, $3  }
0xc1: {  	[dreg:$0x1] =	wrdreg $0xFFFFFFFF  }
0xc2: {  	_ =	task.clear_ibuf [dreg:s7], $0x2FFFF;
	_ =	strace $0x9FFFFFFF  }
0xc3: {  	(tm) =	ssettm $0x7FFFFFFF  }
tec
execute0_lowered:
.L_overlay_start_1:
0x0: {  	(tag) =	ssettag $0x1  }
0x1: {  	s1 =	rddreg [dreg:$0x0]  }
0x2: {  	s0 =	rddreg [dreg:$0x1]  }
0x3: {  	s3 =	rddreg [dreg:$0x2]  }
0x4: {  	s2 =	srdreg.scid;
	s13 =	stileid.u32;
	s4 =	simm.s32 $0x0  }
0x5: {  	s18 =	simm.s32 $0x7;
	s28 =	simm.s32 $0x180;
	s29 =	simm.s32 $0x2  }
0x6: {  	s30 =	simm.s32 $0xA00;
	s31 =	simm.s32 $0x5;
	s2 =	sand.u32 $0x1, s2  }
0x7: {  	s6 =	smul.u32 $0x2800, s13;
	[smem:$0x7FF] =	sst s4;
	s8 =	sadd.s32 $0x16200, s0  }
0x8: {  	s9 =	sadd.s32 $0x2000, s0;
	s5 =	sadd.s32 $0xC000, s0;
	s11 =	smul.u32 $0xA000, s13  }
0x9: {  	s12 =	sshll.u32 s13, $0x1;
	s22 =	sshll.u32 s13, $0x6;
	s13 =	smul.u32 $0x5000, s13  }
0xa: {  	s7 =	smul.u32 $0x28000, s2;
	_ =	strace $0x8000004D;
	s10 =	ssub.s32 $0x2, s2  }
0xb: {  	s12 =	sor.u32 s2, s12;
	s2 =	smul.u32 $0x2800, s2;
	s20 =	sshrl.u32 s10, $0x1  }
0xc: {  	s21 =	sshrl.u32 s11, $0x2;
	s12 =	smul.u32 $0x2800, s12;
	s7 =	sadd.s32 s6, s7  }
0xd: {  	s10 =	ssub.s32 s10, s20;
	s6 =	sadd.s32 s6, s3;
	s11 =	sadd.s32 s21, s3  }
0xe: {  	s2 =	sadd.s32 s2, s13;
	s7 =	sshrl.u32 s7, $0x3;
	[dreg:$0x4] =	wrdreg s6  }
0xf: {  	s23 =	sadd.s32 $0x800, s11;
	s20 =	sadd.s32 $0x1000, s11;
	s21 =	sadd.s32 $0x1800, s11  }
0x10: {  	s11 =	sadd.s32 $0x2000, s11;
	s12 =	sshrl.u32 s12, $0x3;
	s26 =	sor.u32 $0x180, s2  }
0x11: {  	s2 =	sor.u32 $0x100, s2;
	s13 =	smax.u32 s10, $0x1;
	s6 =	simm.s32 $0x4  }
0x12: {  	s0 =	sadd.s32 s7, s0;
	s7 =	sor.u32 $0x1C07, s22;
	s14 =	sadd.s32 s8, s12  }
0x13: {  	s24 =	sadd.s32 s9, s12;
	s12 =	sor.u32 $0x10, s12;
	s2 =	sshrl.u32 s2, $0x3  }
0x14: {  	s19 =	sshrl.u32 s23, $0x3;
	s20 =	sshrl.u32 s20, $0x3;
	s21 =	sshrl.u32 s21, $0x3  }
0x15: {  	s22 =	sshrl.u32 s11, $0x3;
	s23 =	simm.s32 $0x100;
	[dreg:$0x5] =	wrdreg s14  }
0x16: {  	[dreg:$0x6] =	wrdreg s24;
	s25 =	sadd.s32 s8, s12;
	s12 =	sadd.s32 s9, s12  }
0x17: {  	s0 =	sadd.s32 $0xC200, s0;
	s16 =	sadd.s32 s2, s9;
	[dreg:$0x7] =	wrdreg s25  }
0x18: {  	s17 =	sadd.s32 s2, s8;
	s24 =	simm.s32 $0x1;
	[dreg:$0x8] =	wrdreg s12  }
0x19: {  	s2 =	simm.s32 $0x6;
	[dreg:$0x9] =	wrdreg s0;
	s0 =	sshrl.u32 s26, $0x3  }
0x1a: {  	s25 =	simm.s32 $0x80;
	s26 =	simm.s32 $0x200;
	s14 =	sadd.s32 s0, s9  }
0x1b: {  	s15 =	sadd.s32 s0, s8;
	s0 =	simm.s32 $0x3;
	s8 =	simm.s32 $0x0  }
.LBB2_1:
0x1c: {  	s9 =	rddreg [dreg:$0x4]  }
0x1d: {  	s9 =	sshrl.u32 s9, $0x3  }
0x1e: {  	[spmem:s9], [sflag:s7] =	dma.local [hbm:s5], $0x100  }
0x1f: {  	_ =	swait.ge [sflag:s18], $0x100  }
0x20: {  	[sflag:s18] =	ssyncset.done $0x0  }
0x21: {  	[sflag:s18] =	ssyncadd.s32 $0xFFFFFF00  }
0x22: {  	[spmem:s19], [sflag:s7] =	dma.local [hbm:s5], $0x100  }
0x23: {  	_ =	swait.ge [sflag:s18], $0x100  }
0x24: {  	[sflag:s18] =	ssyncset.done $0x0  }
0x25: {  	[sflag:s18] =	ssyncadd.s32 $0xFFFFFF00  }
0x26: {  	[spmem:s20], [sflag:s7] =	dma.local [hbm:s5], $0x100  }
0x27: {  	_ =	swait.ge [sflag:s18], $0x100  }
0x28: {  	[sflag:s18] =	ssyncset.done $0x0  }
0x29: {  	[sflag:s18] =	ssyncadd.s32 $0xFFFFFF00  }
0x2a: {  	[spmem:s21], [sflag:s7] =	dma.local [hbm:s5], $0x100  }
0x2b: {  	_ =	swait.ge [sflag:s18], $0x100  }
0x2c: {  	[sflag:s18] =	ssyncset.done $0x0  }
0x2d: {  	[sflag:s18] =	ssyncadd.s32 $0xFFFFFF00  }
0x2e: {  	[spmem:s22], [sflag:s7] =	dma.local [hbm:s5], $0x100  }
0x2f: {  	_ =	swait.ge [sflag:s18], $0x100  }
0x30: {  	[sflag:s18] =	ssyncset.done $0x0  }
0x31: {  	[sflag:s18] =	ssyncadd.s32 $0xFFFFFF00  }
0x32: {  	[bflag:$0x0] =	sbarrier.arrive $0xFFFF  }
0x33: {  	s10 =	rddreg [dreg:$0x5]  }
0x34: {  	[tilespmem:s4], [sflag:$0x1] =	stream.linear.gather [hbm4b:s10+s4], $0x80, $0x38;
	[tilespmem:$0x3A00] =	vst v63  }
0x35: {  	s11 =	rddreg [dreg:$0x6]  }
0x36: {  	[tilespmem:s23], [sflag:$0x3] =	stream.linear.gather [hbm4b:s11+s4], $0x80, $0x38;
	[tilespmem:$0x3A00] =	vst v63  }
0x37: {  	_ =	swait.ge [sflag:s24], $0x80  }
0x38: {  	[sflag:s24] =	ssyncset.done $0x0  }
0x39: {  	[sflag:s24] =	ssyncadd.s32 $0xFFFFFF80  }
0x3a: {  	[tilespmem:s26], [sflag:$0x5] =	stream.indirect.gather [hbm4b:s1+s25], $0x10, s4, s25, $0xb8;
	[tilespmem:$0x3A00] =	vst v63  }
0x3b: {  	s12 =	rddreg [dreg:$0x7]  }
0x3c: {  	[tilespmem:s25], [sflag:$0x2] =	stream.linear.gather [hbm4b:s12+s4], $0x80, $0x38;
	[tilespmem:$0x3A00] =	vst v63  }
0x3d: {  	s11 =	rddreg [dreg:$0x8]  }
0x3e: {  	[tilespmem:s28], [sflag:$0x4] =	stream.linear.gather [hbm4b:s11+s4], $0x80, $0x38;
	[tilespmem:$0x3A00] =	vst v63  }
0x3f: {  	_ =	swait.ge [sflag:s29], $0x80  }
0x40: {  	[sflag:s29] =	ssyncset.done $0x0  }
0x41: {  	[sflag:s29] =	ssyncadd.s32 $0xFFFFFF80  }
0x42: {  	[tilespmem:s30], [sflag:$0x6] =	stream.indirect.gather [hbm4b:s1+s25], $0x10, s25, s25, $0xb8;
	[tilespmem:$0x3A00] =	vst v63  }
0x43: {  	_ =	swait.ge [sflag:s31], $0x800  }
0x44: {  	[sflag:s31] =	ssyncset.done $0x0  }
0x45: {  	s12 =	sadd.s32 $0x0, s17;
	[sflag:s31] =	ssyncadd.s32 $0xFFFFF800  }
0x46: {  	[tilespmem:s4], [sflag:$0x1] =	stream.linear.gather [hbm4b:s12+s4], $0x80, $0x38;
	[tilespmem:$0x3A00] =	vst v63  }
0x47: {  	_ =	swait.ge [sflag:s0], $0x80  }
0x48: {  	[sflag:s0] =	ssyncset.done $0x0  }
0x49: {  	[sflag:s0] =	ssyncadd.s32 $0xFFFFFF80  }
0x4a: {  	[spmem:s3] =	stream.indirect.scatter.add.f32 [tilespmem:s26], [sflag:$0x7], $0x10, s23, s25, $0xb8;
	[tilespmem:$0x3A00] =	vst v63  }
0x4b: {  	_ =	swait.ge [sflag:s18], $0x800  }
0x4c: {  	[sflag:s18] =	ssyncset.done $0x0  }
0x4d: {  	s11 =	sadd.s32 $0x0, s16;
	[sflag:s18] =	ssyncadd.s32 $0xFFFFF800  }
0x4e: {  	[tilespmem:s23], [sflag:$0x3] =	stream.linear.gather [hbm4b:s11+s4], $0x80, $0x38;
	[tilespmem:$0x3A00] =	vst v63  }
0x4f: {  	_ =	swait.ge [sflag:s24], $0x80  }
0x50: {  	[sflag:s24] =	ssyncset.done $0x0  }
0x51: {  	[sflag:s24] =	ssyncadd.s32 $0xFFFFFF80  }
0x52: {  	[tilespmem:s26], [sflag:$0x5] =	stream.indirect.gather [hbm4b:s1+s25], $0x10, s4, s25, $0xb8;
	[tilespmem:$0x3A00] =	vst v63  }
0x53: {  	_ =	swait.ge [sflag:s2], $0x800  }
0x54: {  	[sflag:s2] =	ssyncset.done $0x0  }
0x55: {  	s12 =	sadd.s32 $0x0, s15;
	[sflag:s2] =	ssyncadd.s32 $0xFFFFF800  }
0x56: {  	[tilespmem:s25], [sflag:$0x2] =	stream.linear.gather [hbm4b:s12+s4], $0x80, $0x38;
	[tilespmem:$0x3A00] =	vst v63  }
0x57: {  	_ =	swait.ge [sflag:s6], $0x80  }
0x58: {  	[sflag:s6] =	ssyncset.done $0x0  }
0x59: {  	[sflag:s6] =	ssyncadd.s32 $0xFFFFFF80  }
0x5a: {  	[spmem:s3] =	stream.indirect.scatter.add.f32 [tilespmem:s30], [sflag:$0x7], $0x10, s28, s25, $0xb8;
	[tilespmem:$0x3A00] =	vst v63  }
0x5b: {  	_ =	swait.ge [sflag:s18], $0x800  }
0x5c: {  	[sflag:s18] =	ssyncset.done $0x0  }
0x5d: {  	s10 =	simm.s32 $0x20;
	s11 =	sadd.s32 $0x0, s14;
	[sflag:s18] =	ssyncadd.s32 $0xFFFFF800  }
.LBB2_2:
0x5e: {  	[tilespmem:s28], [sflag:$0x4] =	stream.linear.gather [hbm4b:s11+s4], $0x80, $0x38;
	[tilespmem:$0x3A00] =	vst v63  }
0x5f: {  	s11 =	smov.u32 s10  }
0x60: {  	p0 =	sne.s32 s10, $0x4C0;
	s10 =	sadd.s32 $0x20, s10;
	_ =	swait.ge [sflag:s29], $0x80  }
0x61: {  	[sflag:s29] =	ssyncset.done $0x0  }
0x62: {  	[sflag:s29] =	ssyncadd.s32 $0xFFFFFF80  }
0x63: {  	[tilespmem:s30], [sflag:$0x6] =	stream.indirect.gather [hbm4b:s1+s25], $0x10, s25, s25, $0xb8;
	[tilespmem:$0x3A00] =	vst v63  }
0x64: {  	_ =	swait.ge [sflag:s31], $0x800  }
0x65: {  	[sflag:s31] =	ssyncset.done $0x0  }
0x66: {  	s12 =	sadd.s32 s11, s17;
	[sflag:s31] =	ssyncadd.s32 $0xFFFFF800  }
0x67: {  	[tilespmem:s4], [sflag:$0x1] =	stream.linear.gather [hbm4b:s12+s4], $0x80, $0x38;
	[tilespmem:$0x3A00] =	vst v63  }
0x68: {  	_ =	swait.ge [sflag:s0], $0x80  }
0x69: {  	[sflag:s0] =	ssyncset.done $0x0  }
0x6a: {  	[sflag:s0] =	ssyncadd.s32 $0xFFFFFF80  }
0x6b: {  	[spmem:s3] =	stream.indirect.scatter.add.f32 [tilespmem:s26], [sflag:$0x7], $0x10, s23, s25, $0xb8;
	[tilespmem:$0x3A00] =	vst v63  }
0x6c: {  	_ =	swait.ge [sflag:s18], $0x800  }
0x6d: {  	[sflag:s18] =	ssyncset.done $0x0  }
0x6e: {  	s12 =	sadd.s32 s11, s16;
	[sflag:s18] =	ssyncadd.s32 $0xFFFFF800  }
0x6f: {  	[tilespmem:s23], [sflag:$0x3] =	stream.linear.gather [hbm4b:s12+s4], $0x80, $0x38;
	[tilespmem:$0x3A00] =	vst v63  }
0x70: {  	_ =	swait.ge [sflag:s24], $0x80  }
0x71: {  	[sflag:s24] =	ssyncset.done $0x0  }
0x72: {  	[sflag:s24] =	ssyncadd.s32 $0xFFFFFF80  }
0x73: {  	[tilespmem:s26], [sflag:$0x5] =	stream.indirect.gather [hbm4b:s1+s25], $0x10, s4, s25, $0xb8;
	[tilespmem:$0x3A00] =	vst v63  }
0x74: {  	_ =	swait.ge [sflag:s2], $0x800  }
0x75: {  	[sflag:s2] =	ssyncset.done $0x0  }
0x76: {  	s12 =	sadd.s32 s11, s15;
	[sflag:s2] =	ssyncadd.s32 $0xFFFFF800  }
0x77: {  	[tilespmem:s25], [sflag:$0x2] =	stream.linear.gather [hbm4b:s12+s4], $0x80, $0x38;
	[tilespmem:$0x3A00] =	vst v63  }
0x78: {  	_ =	swait.ge [sflag:s6], $0x80  }
0x79: {  	[sflag:s6] =	ssyncset.done $0x0  }
.Ltmp0:
0x7a: {  	[sflag:s6] =	ssyncadd.s32 $0xFFFFFF80;
	(pc) =	sbr.rel @p0 .LBB2_2-.Ltmp0, $4  }
0x7b: {  	[spmem:s3] =	stream.indirect.scatter.add.f32 [tilespmem:s30], [sflag:$0x7], $0x10, s28, s25, $0xb8;
	[tilespmem:$0x3A00] =	vst v63  }
0x7c: {  	_ =	swait.ge [sflag:s18], $0x800  }
0x7d: {  	[sflag:s18] =	ssyncset.done $0x0  }
0x7e: {  	s11 =	sadd.s32 s11, s14;
	[sflag:s18] =	ssyncadd.s32 $0xFFFFF800  }
0x7f: {  	[tilespmem:s28], [sflag:$0x4] =	stream.linear.gather [hbm4b:s11+s4], $0x80, $0x38;
	[tilespmem:$0x3A00] =	vst v63  }
0x80: {  	_ =	swait.ge [sflag:s29], $0x80  }
0x81: {  	[sflag:s29] =	ssyncset.done $0x0  }
0x82: {  	[sflag:s29] =	ssyncadd.s32 $0xFFFFFF80  }
0x83: {  	[tilespmem:s30], [sflag:$0x6] =	stream.indirect.gather [hbm4b:s1+s25], $0x10, s25, s25, $0xb8;
	[tilespmem:$0x3A00] =	vst v63  }
0x84: {  	_ =	swait.ge [sflag:s31], $0x800  }
0x85: {  	[sflag:s31] =	ssyncset.done $0x0  }
0x86: {  	[sflag:s31] =	ssyncadd.s32 $0xFFFFF800  }
0x87: {  	_ =	swait.ge [sflag:s0], $0x80  }
0x88: {  	[sflag:s0] =	ssyncset.done $0x0  }
0x89: {  	[sflag:s0] =	ssyncadd.s32 $0xFFFFFF80  }
0x8a: {  	[spmem:s3] =	stream.indirect.scatter.add.f32 [tilespmem:s26], [sflag:$0x7], $0x10, s23, s25, $0xb8;
	[tilespmem:$0x3A00] =	vst v63  }
0x8b: {  	_ =	swait.ge [sflag:s18], $0x800  }
0x8c: {  	[sflag:s18] =	ssyncset.done $0x0  }
0x8d: {  	[sflag:s18] =	ssyncadd.s32 $0xFFFFF800  }
0x8e: {  	_ =	swait.ge [sflag:s2], $0x800  }
0x8f: {  	[sflag:s2] =	ssyncset.done $0x0  }
0x90: {  	[sflag:s2] =	ssyncadd.s32 $0xFFFFF800  }
0x91: {  	_ =	swait.ge [sflag:s6], $0x80  }
0x92: {  	[sflag:s6] =	ssyncset.done $0x0  }
0x93: {  	[sflag:s6] =	ssyncadd.s32 $0xFFFFFF80  }
0x94: {  	[spmem:s3] =	stream.indirect.scatter.add.f32 [tilespmem:s30], [sflag:$0x7], $0x10, s28, s25, $0xb8;
	[tilespmem:$0x3A00] =	vst v63  }
0x95: {  	_ =	swait.ge [sflag:s18], $0x800  }
0x96: {  	[sflag:s18] =	ssyncset.done $0x0  }
0x97: {  	s8 =	sadd.s32 $0x1, s8;
	[sflag:s18] =	ssyncadd.s32 $0xFFFFF800  }
0x98: {  	p0 =	sne.s32 s8, s13;
	[bflag:$0x0] =	sbarrier.arrive $0xFFFF  }
.Ltmp1:
0x99: {  	s10 =	rddreg [dreg:$0x9];
	(pc) =	sbr.rel @p0 .LBB2_1-.Ltmp1, $4  }
0x9a: {  	[hbm:s10], [sflag:s7] =	dma.local [spmem:s9], $0x500  }
0x9b: {  	_ =	swait.ge [sflag:s18], $0x500  }
0x9c: {  	[sflag:s18] =	ssyncset.done $0x0  }
0x9d: {  	[sflag:s18] =	ssyncadd.s32 $0xFFFFFB00  }
0x9e: {  	_ =	sfence.sel $0x180000  }
0x9f: {  	[bflag:$0x0] =	sbarrier.arrive $0xFFFF  }
0xa0: {  	_ =	strace $0x9000004D  }
0xa1: {  	s0 =	stileid.u32;
	[bflag:$0x2] =	sbarrier.arrive $0xFFFF  }
0xa2: {  	p0 =	sne.s32 s0, $0x0;
	s0 =	rddreg [dreg:$0x3]  }
0xa3: {  	s0 =	sadd.s32 @!p0 $0x100000, s0  }
0xa4: {  	[sflag:s0] =	ssyncadd.tile.s32 @!p0 $0x1;
	_ =	shalt  }
.Lfunc_end2:
_tile_overlayer_lowered:
.L_overlay_start_2:
0xa5: {  	(tag) =	ssettag $0x2  }
0xa6: {  	s0 =	rddreg [dreg:$0x0];
	s2 =	stileid.u32  }
0xa7: {  	s1 =	rddreg [dreg:$0x1];
	p0 =	sne.s32 s2, $0x0  }
0xa8: {  	s3 =	rddreg [dreg:$0x2];
	[bflag:$0x3] =	sbarrier.arrive $0xFFFF;
	s2 =	simm.s32 @!p0 $0x1C07  }
0xa9: {  	[timem:s3], [sflag:s2] =	dma.local @!p0 [hbm:s0], s1  }
0xaa: {  	s0 =	simm.s32 @!p0 $0x7  }
0xab: {  	_ =	swait.ge @!p0 [sflag:s0], s1  }
0xac: {  	s1 =	ssub.s32 @!p0 $0x0, s1;
	[sflag:s0] =	ssyncset.done @!p0 $0x0  }
0xad: {  	[sflag:s0] =	ssyncadd.s32 @!p0 s1  }
0xae: {  	[bflag:$0x3] =	sbarrier.arrive $0xFFFF  }
0xaf: {  	_ =	shalt  }

// kernel: kernel.8.cloned.1.call-start
scs
__scs_entry_jumppad:
0x0: {  	(pc) =	sbr.rel $0x88, $3  }
0x1: {  	(tag) =	ssettag $0x0;
	lr =	simm.s32 $0x1  }
0x2: {  	[smem:$0x3F9B] =	sst lr;
	_ =	strace $0xD0000000  }
0x3: {  	_ = 	snop  }
0x4: {  	_ = 	snop  }
0x5: {  	_ = 	snop  }
0x6: {  	_ = 	snop  }
0x7: {  	_ = 	snop  }
__scs_overlays_trampoline_lowered:
0x8: {  	[smem:$0x3FAA] =	sst s0  }
0x9: {  	[smem:$0x3FAB] =	sst s1  }
0xa: {  	[smem:$0x3FAC] =	sst s2  }
0xb: {  	[smem:$0x3FAD] =	sst s3  }
0xc: {  	[smem:$0x3FAE] =	sst s4  }
0xd: {  	[smem:$0x3FAF] =	sst s5  }
0xe: {  	[smem:$0x3FB0] =	sst s6  }
0xf: {  	[smem:$0x3FB1] =	sst s7  }
0x10: {  	[smem:$0x3FB2] =	sst s8  }
0x11: {  	[smem:$0x3FB3] =	sst s9;
	s0 =	simm.s32 @!p0 $0x0  }
0x12: {  	s1 =	sld [smem:$0x3F99];
	s0 =	simm.s32 @p0 $0x1  }
0x13: {  	[smem:$0x3FB4] =	sst s0;
	s0 =	simm.s32 @!p1 $0x0  }
0x14: {  	s2 =	sld [smem:$0x3F98];
	s0 =	simm.s32 @p1 $0x1  }
0x15: {  	[smem:$0x3FB5] =	sst s0;
	s0 =	simm.s32 @!p2 $0x0  }
0x16: {  	s3 =	sld [smem:$0x3FDB];
	s0 =	simm.s32 @p2 $0x1  }
0x17: {  	s4 =	simm.s32 $0x1BF5;
	[smem:$0x3FB7] =	sst s0  }
0x18: {  	s0 =	sld [smem:$0x3F9A];
	_ =	swait.ge [sflag:s4], $0x0  }
0x19: {  	s7 =	sld [smem:$0x3F9B]  }
0x1a: {  	s8 =	sadd.s32 $0xFFFFE003, lr  }
0x1b: {  	s9 =	sadd.s32 $0xFFFFFEF7, lr;
	s5 =	simm.s32 $0xFFFFFFFF;
	p2 =	slt.u32 s8, $0xFFFFF086  }
0x1c: {  	p1 =	slt.u32 s9, $0xF7A;
	s5 =	simm.s32 @!p2 $0x0  }
0x1d: {  	s5 =	simm.s32 @p1 $0x1;
	p0 =	seq.s32 s7, s2  }
0x1e: {  	s7 =	smul.u32 @!p0 $0xF7A, s2;
	p2 =	seq.s32 @!p0 s5, $0x0  }
0x1f: {  	s9 =	smul.u32 $0xF7A, s1;
	s8 =	simm.s32 @!p0 $0x1BF5;
	p2 =	por !p2, p0  }
0x20: {  	[sflag:s8] =	ssyncset.s32 @!p0 $0xFFFFF086;
	s6 =	sadd.s32 @!p0 s3, s7;
	s7 =	simm.s32 @!p0 $0x108  }
0x21: {  	s3 =	sadd.s32 s3, s9;
	s6 =	sadd.s32 @!p0 $0x88, s6;
	s7 =	simm.s32 @p2 $0x1082  }
0x22: {  	[simem:s7], [sflag:s8] =	dma.local @!p0 [hbm:s6], $0xF7A  }
0x23: {  	s9 =	sor.u32 $0xD0000000, s2;
	s6 =	simm.s32 $0x108;
	_ =	swait.ge @!p0 [sflag:s8], $0x0  }
0x24: {  	s3 =	sadd.s32 $0x88, s3;
	s6 =	simm.s32 @!p1 $0x1082;
	[sflag:s4] =	ssyncset.s32 $0xFFFFF086  }
0x25: {  	[simem:s6], [sflag:s4] =	dma.local [hbm:s3], $0xF7A  }
0x26: {  	[smem:$0x3F9B] =	sst s1;
	(tag) =	ssettag s2;
	_ =	strace s9  }
0x27: {  	s1 =	sld [smem:$0x3FAB]  }
0x28: {  	s2 =	sld [smem:$0x3FAC]  }
0x29: {  	s4 =	sld [smem:$0x3FAE]  }
0x2a: {  	p0 =	seq.s32 s5, $0x0;
	s5 =	sld [smem:$0x3FAF]  }
0x2b: {  	s6 =	sld [smem:$0x3FB0]  }
0x2c: {  	s7 =	sld [smem:$0x3FB1]  }
0x2d: {  	s3 =	simm.s32 $0x108;
	s8 =	sld [smem:$0x3FB2]  }
0x2e: {  	s3 =	simm.s32 @!p0 $0x1082;
	s9 =	sld [smem:$0x3FB3]  }
0x2f: {  	lr =	sadd.s32 s0, s3;
	s0 =	sld [smem:$0x3FAA]  }
0x30: {  	s3 =	sld [smem:$0x3FAD]  }
0x31: {  	[smem:$0x3FB6] =	sst s10  }
0x32: {  	s10 =	sld [smem:$0x3FB4];
	_ =	sdelay $0x3  }
0x33: {  	p0 =	seq.s32 s10, $0x1;
	s10 =	sld [smem:$0x3FB6];
	_ =	sdelay $0x3  }
0x34: {  	[smem:$0x3FB6] =	sst s10  }
0x35: {  	s10 =	sld [smem:$0x3FB5];
	_ =	sdelay $0x3  }
0x36: {  	p1 =	seq.s32 s10, $0x1;
	s10 =	sld [smem:$0x3FB6];
	_ =	sdelay $0x3  }
0x37: {  	[smem:$0x3FB6] =	sst s10  }
0x38: {  	s10 =	sld [smem:$0x3FB7]  }
0x39: {  	_ = 	snop;
	(pc) =	sbr.ind lr, $3  }
0x3a: {  	_ = 	snop  }
0x3b: {  	_ = 	snop  }
0x3c: {  	p2 =	seq.s32 s10, $0x1;
	s10 =	sld [smem:$0x3FB6]  }
0x3d: {  	_ =	shalt  }
0x3e: {  	_ =	shalt  }
0x3f: {  	_ =	shalt  }
0x40: {  	_ =	shalt  }
0x41: {  	_ =	shalt  }
0x42: {  	_ =	shalt  }
0x43: {  	_ =	shalt  }
0x44: {  	_ =	shalt  }
0x45: {  	_ =	shalt  }
0x46: {  	_ =	shalt  }
0x47: {  	_ =	shalt  }
0x48: {  	_ =	shalt  }
0x49: {  	_ =	shalt  }
0x4a: {  	_ =	shalt  }
0x4b: {  	_ =	shalt  }
0x4c: {  	_ =	shalt  }
0x4d: {  	_ =	shalt  }
0x4e: {  	_ =	shalt  }
0x4f: {  	_ =	shalt  }
0x50: {  	_ =	shalt  }
0x51: {  	_ =	shalt  }
0x52: {  	_ =	shalt  }
0x53: {  	_ =	shalt  }
0x54: {  	_ =	shalt  }
0x55: {  	_ =	shalt  }
0x56: {  	_ =	shalt  }
0x57: {  	_ =	shalt  }
0x58: {  	_ =	shalt  }
0x59: {  	_ =	shalt  }
0x5a: {  	_ =	shalt  }
0x5b: {  	_ =	shalt  }
0x5c: {  	_ =	shalt  }
0x5d: {  	_ =	shalt  }
0x5e: {  	_ =	shalt  }
0x5f: {  	_ =	shalt  }
0x60: {  	_ =	shalt  }
0x61: {  	_ =	shalt  }
0x62: {  	_ =	shalt  }
0x63: {  	_ =	shalt  }
0x64: {  	_ =	shalt  }
0x65: {  	_ =	shalt  }
0x66: {  	_ =	shalt  }
0x67: {  	_ =	shalt  }
0x68: {  	_ =	shalt  }
0x69: {  	_ =	shalt  }
0x6a: {  	_ =	shalt  }
0x6b: {  	_ =	shalt  }
0x6c: {  	_ =	shalt  }
0x6d: {  	_ =	shalt  }
0x6e: {  	_ =	shalt  }
0x6f: {  	_ =	shalt  }
0x70: {  	_ =	shalt  }
0x71: {  	_ =	shalt  }
0x72: {  	_ =	shalt  }
0x73: {  	_ =	shalt  }
0x74: {  	_ =	shalt  }
0x75: {  	_ =	shalt  }
0x76: {  	_ =	shalt  }
0x77: {  	_ =	shalt  }
0x78: {  	_ =	shalt  }
0x79: {  	_ =	shalt  }
0x7a: {  	_ =	shalt  }
0x7b: {  	_ =	shalt  }
0x7c: {  	_ =	shalt  }
0x7d: {  	_ =	shalt  }
0x7e: {  	_ =	shalt  }
0x7f: {  	_ =	shalt  }
0x80: {  	_ =	shalt  }
0x81: {  	_ =	shalt  }
0x82: {  	_ =	shalt  }
0x83: {  	_ =	shalt  }
0x84: {  	_ =	shalt  }
0x85: {  	_ =	shalt  }
0x86: {  	_ =	shalt  }
0x87: {  	_ =	shalt  }
.Lfunc_end0:
.L_simem_size_0:
called_computation_lowered:
.L_overlay_start_0:
0x88: {  	s2 =	sld [smem:$0x3FD9]  }
0x89: {  	s3 =	sld [smem:$0x3FFE];
	_ =	sdelay $0x1  }
0x8a: {  	s1 =	srdreg.scid  }
0x8b: {  	s0 =	sand.u32 $0x1, s1  }
0x8c: {  	s17 =	sshll.u32 s0, $0xA;
	s2 =	sadd.s32 s3, s2  }
0x8d: {  	s2 =	sadd.s32 s2, s17  }
0x8e: {  	[smem:$0x3FC2] =	sst s2  }
0x8f: {  	_ = 	snop  }
0x90: {  	s2 =	sld [smem:$0x3FD0];
	(tm) =	ssettm $0x1  }
0x91: {  	s18 =	sld [smem:$0x3FFB];
	_ =	sdelay $0x3  }
0x92: {  	_ =	strace s18  }
0x93: {  	s3 =	sld [smem:$0x3FFC];
	_ =	sdelay $0x3  }
0x94: {  	_ =	strace s3  }
0x95: {  	s3 =	sld [smem:$0x3FFD];
	_ =	sdelay $0x3  }
0x96: {  	_ =	strace s3  }
0x97: {  	_ =	strace $0x8FFFFFFF  }
0x98: {  	s19 =	sld [smem:$0x3FDB];
	_ =	sdelay $0x1  }
0x99: {  	s4 =	simm.s32 $_scs_section_size  }
0x9a: {  	s5 =	simm.s32 $_size__tile_overlayer_lowered;
	s6 =	simm.s32 $_tile_overlayer_lowered  }
0x9b: {  	s22 =	simm.s32 $0x1BFF;
	s21 =	sshll.u32 s6, $0x1;
	s3 =	sadd.s32 s4, s19  }
0x9c: {  	s7 =	simm.s32 $0x0;
	s20 =	sshll.u32 s5, $0x1;
	s5 =	sadd.s32 s21, s3  }
0x9d: {  	[timem:s7], [sflag:s22] =	dma.local [hbm:s5], s20  }
0x9e: {  	_ =	swait.ge [sflag:s22], s20  }
0x9f: {  	s4 =	ssub.s32 $0x0, s20;
	[sflag:s22] =	ssyncset.done $0x0  }
0xa0: {  	[sflag:s22] =	ssyncadd.s32 s4;
	_ =	sdelay $0x1  }
0xa1: {  	s23 =	simm.s32 $0x1B8B  }
0xa2: {  	_ =	swait.ge [sflag:s23], $0x1  }
0xa3: {  	[sflag:s23] =	ssyncset.done $0x0  }
0xa4: {  	s25 =	simm.s32 $0x1B8E;
	s24 =	sld [smem:$0x3FFE];
	[sflag:s23] =	ssyncadd.s32 $0xFFFFFFFF  }
0xa5: {  	s26 =	simm.s32 $execute0_lowered;
	[smem:$0x3FD2] =	sst s25  }
0xa6: {  	s5 =	sshll.u32 s26, $0x1;
	_ =	strace $0x80000046;
	[dreg:$0x1] =	wrdreg $0xFFFFFFFF  }
0xa7: {  	s28 =	simm.s32 $_size_execute0_lowered;
	s3 =	sadd.s32 s3, s5;
	[dreg:$0x0] =	wrdreg $0x0  }
0xa8: {  	s5 =	sshll.u32 s28, $0x1;
	[dreg:$0x2] =	wrdreg s3  }
0xa9: {  	[dreg:$0x3] =	wrdreg s5  }
0xaa: {  	[dreg:$0x4] =	wrdreg $0xC0  }
0xab: {  	_ =	task [dreg:s7], $0x5FFFF  }
0xac: {  	[dreg:$0x1] =	wrdreg $0xFFFFFFFF  }
0xad: {  	[dreg:$0x0] =	wrdreg $0x60  }
0xae: {  	[dreg:$0x2] =	wrdreg s24  }
0xaf: {  	[dreg:$0x3] =	wrdreg s2  }
0xb0: {  	[dreg:$0x4] =	wrdreg $0x8800  }
0xb1: {  	[dreg:$0x5] =	wrdreg $0x9  }
0xb2: {  	_ =	task.clear_ibuf [dreg:s7], $0x6FFFF;
	_ =	strace $0x90000046  }
0xb3: {  	s29 =	simm.s32 $0x9;
	_ =	strace $0x80000048  }
0xb4: {  	_ =	swait.ge [sflag:s29], $0x1  }
0xb5: {  	[sflag:s29] =	ssyncadd.s32 $0xFFFFFFFF  }
0xb6: {  	_ =	strace $0x90000048  }
0xb7: {  	_ =	sfence  }
0xb8: {  	s30 =	sld [smem:$0x0];
	_ =	sdelay $0x2  }
0xb9: {  	s31 =	sshll.u32 s1, $0xD;
	s1 =	sshrl.u32 s1, $0x2  }
0xba: {  	s3 =	sand.u32 $0x4000, s31;
	s1 =	sadd.s32 s1, s30  }
0xbb: {  	s0 =	sor.u32 s3, s0;
	s1 =	sshll.u32 s1, $0x11  }
0xbc: {  	s0 =	sor.u32 s1, s0  }
0xbd: {  	s0 =	sadd.s32 $0x8F2B, s0  }
0xbe: {  	[sflag:s0] =	ssyncadd.remote.s32 $0x1  }
0xbf: {  	_ =	sfence.sel $0xFFFF  }
0xc0: {  	[dreg:$0x0] =	wrdreg $0xFFFFFFFF;
	(pc) =	sbr.abs _section_cstart, $3  }
0xc1: {  	[dreg:$0x1] =	wrdreg $0xFFFFFFFF  }
0xc2: {  	_ =	task.clear_ibuf [dreg:s7], $0x2FFFF;
	_ =	strace $0x9FFFFFFF  }
0xc3: {  	(tm) =	ssettm $0x7FFFFFFF  }
tec
execute0_lowered:
.L_overlay_start_1:
0x0: {  	(tag) =	ssettag $0x1  }
0x1: {  	s6 =	rddreg [dreg:$0x0];
	s1 =	srdreg.scid  }
0x2: {  	s0 =	stileid.u32;
	s2 =	rddreg [dreg:$0x1]  }
0x3: {  	s3 =	rddreg [dreg:$0x2];
	s5 =	smul.u32 $0x5000, s0  }
0x4: {  	s4 =	simm.s32 $0x0;
	s17 =	simm.s32 $0x0;
	s28 =	smul.u32 $0x2800, s0  }
0x5: {  	s7 =	sand.u32 $0x1, s1;
	s1 =	rddreg [dreg:$0x3];
	s11 =	smul.u32 $0xA000, s0  }
0x6: {  	[smem:$0x7FF] =	sst s4;
	s31 =	sshll.u32 s0, $0x6;
	s8 =	smul.u32 $0x2800, s7  }
0x7: {  	s9 =	smul.u32 $0x28000, s7;
	_ =	strace $0x80000047;
	s7 =	ssub.s32 $0x2, s7  }
0x8: {  	s12 =	sshrl.u32 s7, $0x1;
	s11 =	sshrl.u32 s11, $0x2;
	s30 =	sadd.s32 s28, s3  }
0x9: {  	s5 =	sadd.s32 s8, s5;
	s9 =	sadd.s32 s28, s9;
	s7 =	ssub.s32 s7, s12  }
0xa: {  	s29 =	sadd.s32 s11, s3;
	s11 =	sor.u32 $0x1C01, s31;
	s12 =	sshrl.u32 s30, $0x3  }
0xb: {  	s5 =	sshrl.u32 s5, $0x3;
	s9 =	sshrl.u32 s9, $0x3;
	s13 =	sadd.s32 $0x800, s29  }
0xc: {  	s14 =	sadd.s32 $0x1000, s29;
	s15 =	sadd.s32 $0x1800, s29;
	s16 =	sadd.s32 $0x2000, s29  }
0xd: {  	s7 =	smax.u32 s7, $0x1;
	s10 =	sadd.s32 s5, s6;
	s5 =	sadd.s32 $0xC000, s6  }
0xe: {  	s6 =	sadd.s32 s9, s6;
	s9 =	simm.s32 $0x80;
	s13 =	sshrl.u32 s13, $0x3  }
0xf: {  	s14 =	sshrl.u32 s14, $0x3;
	s15 =	sshrl.u32 s15, $0x3;
	s16 =	sshrl.u32 s16, $0x3  }
0x10: {  	s6 =	sadd.s32 $0xC200, s6;
	s8 =	sadd.s32 $0x2000, s10;
	s10 =	simm.s32 $0x1  }
.LBB2_1:
0x11: {  	[tilespmem:s9], [sflag:$0x1] =	stream.linear.gather [hbm4b:s2+s4], $0x800, $0x38;
	[tilespmem:$0x3080] =	vst v63  }
0x12: {  	_ =	swait.ge [sflag:s10], $0x800  }
0x13: {  	[sflag:s10] =	ssyncset.done $0x0  }
0x14: {  	[sflag:s10] =	ssyncadd.s32 $0xFFFFF800  }
0x15: {  	[spmem:s12], [sflag:s11] =	dma.local [hbm:s5], $0x100  }
0x16: {  	_ =	swait.ge [sflag:s10], $0x100  }
0x17: {  	[sflag:s10] =	ssyncset.done $0x0  }
0x18: {  	[sflag:s10] =	ssyncadd.s32 $0xFFFFFF00  }
0x19: {  	[spmem:s13], [sflag:s11] =	dma.local [hbm:s5], $0x100  }
0x1a: {  	_ =	swait.ge [sflag:s10], $0x100  }
0x1b: {  	[sflag:s10] =	ssyncset.done $0x0  }
0x1c: {  	[sflag:s10] =	ssyncadd.s32 $0xFFFFFF00  }
0x1d: {  	[spmem:s14], [sflag:s11] =	dma.local [hbm:s5], $0x100  }
0x1e: {  	_ =	swait.ge [sflag:s10], $0x100  }
0x1f: {  	[sflag:s10] =	ssyncset.done $0x0  }
0x20: {  	[sflag:s10] =	ssyncadd.s32 $0xFFFFFF00  }
0x21: {  	[spmem:s15], [sflag:s11] =	dma.local [hbm:s5], $0x100  }
0x22: {  	_ =	swait.ge [sflag:s10], $0x100  }
0x23: {  	[sflag:s10] =	ssyncset.done $0x0  }
0x24: {  	[sflag:s10] =	ssyncadd.s32 $0xFFFFFF00  }
0x25: {  	[spmem:s16], [sflag:s11] =	dma.local [hbm:s5], $0x100  }
0x26: {  	_ =	swait.ge [sflag:s10], $0x100  }
0x27: {  	[sflag:s10] =	ssyncset.done $0x0  }
0x28: {  	[sflag:s10] =	ssyncadd.s32 $0xFFFFFF00  }
0x29: {  	s18 =	sadd.s32 $0x0, s8;
	[bflag:$0x0] =	sbarrier.arrive $0xFFFF  }
0x2a: {  	[tilespmem:s4], [sflag:$0x1] =	stream.linear.gather [hbm4b:s18+s4], $0x80, $0x38;
	[tilespmem:$0x3080] =	vst v63  }
0x2b: {  	_ =	swait.ge [sflag:s10], $0x80  }
0x2c: {  	[sflag:s10] =	ssyncset.done $0x0  }
0x2d: {  	[sflag:s10] =	ssyncadd.s32 $0xFFFFFF80  }
0x2e: {  	[spmem:s3] =	stream.indirect.scatter.add.f32 [tilespmem:s9], [sflag:$0x1], $0x10, s4, s9, $0xb8;
	[tilespmem:$0x3080] =	vst v63  }
0x2f: {  	_ =	swait.ge [sflag:s10], $0x800  }
0x30: {  	s19 =	simm.s32 $0x20;
	s18 =	simm.s32 $0x10;
	[sflag:s10] =	ssyncset.done $0x0  }
.LBB2_2:
0x31: {  	s20 =	sadd.s32 s18, s8  }
0x32: {  	[sflag:s10] =	ssyncadd.s32 $0xFFFFF800;
	s18 =	smov.u32 s19;
	s21 =	sadd.s32 $0x10, s19  }
0x33: {  	[tilespmem:s4], [sflag:$0x1] =	stream.linear.gather [hbm4b:s20+s4], $0x80, $0x38;
	[tilespmem:$0x3080] =	vst v63  }
0x34: {  	p0 =	sne.s32 s19, $0x4F0;
	_ =	swait.ge [sflag:s10], $0x80  }
.Ltmp0:
0x35: {  	[sflag:s10] =	ssyncset.done $0x0;
	(pc) =	sbr.rel @p0 .LBB2_2-.Ltmp0, $4  }
0x36: {  	[sflag:s10] =	ssyncadd.s32 $0xFFFFFF80  }
0x37: {  	[spmem:s3] =	stream.indirect.scatter.add.f32 [tilespmem:s9], [sflag:$0x1], $0x10, s4, s9, $0xb8;
	[tilespmem:$0x3080] =	vst v63  }
0x38: {  	_ =	swait.ge [sflag:s10], $0x800  }
0x39: {  	s19 =	smov.u32 s21;
	[sflag:s10] =	ssyncset.done $0x0  }
0x3a: {  	s18 =	sadd.s32 s18, s8;
	[sflag:s10] =	ssyncadd.s32 $0xFFFFF800  }
0x3b: {  	[tilespmem:s4], [sflag:$0x1] =	stream.linear.gather [hbm4b:s18+s4], $0x80, $0x38;
	[tilespmem:$0x3080] =	vst v63  }
0x3c: {  	_ =	swait.ge [sflag:s10], $0x80  }
0x3d: {  	[sflag:s10] =	ssyncset.done $0x0  }
0x3e: {  	[sflag:s10] =	ssyncadd.s32 $0xFFFFFF80  }
0x3f: {  	[spmem:s3] =	stream.indirect.scatter.add.f32 [tilespmem:s9], [sflag:$0x1], $0x10, s4, s9, $0xb8;
	[tilespmem:$0x3080] =	vst v63  }
0x40: {  	_ =	swait.ge [sflag:s10], $0x800  }
0x41: {  	s17 =	sadd.s32 $0x1, s17;
	[sflag:s10] =	ssyncset.done $0x0  }
0x42: {  	p0 =	sne.s32 s17, s7;
	[sflag:s10] =	ssyncadd.s32 $0xFFFFF800  }
.Ltmp1:
0x43: {  	[bflag:$0x0] =	sbarrier.arrive $0xFFFF;
	(pc) =	sbr.rel @p0 .LBB2_1-.Ltmp1, $4  }
0x44: {  	[hbm:s6], [sflag:s11] =	dma.local [spmem:s12], $0x500  }
0x45: {  	_ =	swait.ge [sflag:s10], $0x500  }
0x46: {  	[sflag:s10] =	ssyncset.done $0x0  }
0x47: {  	[sflag:s10] =	ssyncadd.s32 $0xFFFFFB00  }
0x48: {  	_ =	sfence.sel $0x180000  }
0x49: {  	[bflag:$0x0] =	sbarrier.arrive $0xFFFF  }
0x4a: {  	p0 =	sne.s32 s0, $0x0;
	_ =	strace $0x90000047  }
0x4b: {  	s0 =	sadd.s32 @!p0 $0x100000, s1;
	[bflag:$0x2] =	sbarrier.arrive $0xFFFF  }
0x4c: {  	[sflag:s0] =	ssyncadd.tile.s32 @!p0 $0x1;
	_ =	shalt  }
.Lfunc_end2:
_tile_overlayer_lowered:
.L_overlay_start_2:
0x4d: {  	(tag) =	ssettag $0x2  }
0x4e: {  	s0 =	rddreg [dreg:$0x0];
	s2 =	stileid.u32  }
0x4f: {  	s1 =	rddreg [dreg:$0x1];
	p0 =	sne.s32 s2, $0x0  }
0x50: {  	s3 =	rddreg [dreg:$0x2];
	[bflag:$0x3] =	sbarrier.arrive $0xFFFF;
	s2 =	simm.s32 @!p0 $0x1C01  }
0x51: {  	[timem:s3], [sflag:s2] =	dma.local @!p0 [hbm:s0], s1  }
0x52: {  	s0 =	simm.s32 @!p0 $0x1  }
0x53: {  	_ =	swait.ge @!p0 [sflag:s0], s1  }
0x54: {  	s1 =	ssub.s32 @!p0 $0x0, s1;
	[sflag:s0] =	ssyncset.done @!p0 $0x0  }
0x55: {  	[sflag:s0] =	ssyncadd.s32 @!p0 s1  }
0x56: {  	[bflag:$0x3] =	sbarrier.arrive $0xFFFF  }
0x57: {  	_ =	shalt  }

</sc_bundles>
